<compile_context>
chip_gen: v7x
topology: tpu7x:2x2x1
jax: 0.10.2.dev20260603
libtpu: 0.0.44.dev20260713+nightly
codegen_flags: <defaults>
</compile_context>

<pallas_src>
import functools

import jax
import jax.numpy as jnp
from jax import lax
from jax.experimental import pallas as pl
from jax.experimental.pallas import tpu as pltpu
from jax.experimental.pallas import tpu_sc as plsc

_B, _N, _C, _K = 16, 8192, 128, 512
_BN = 512


def _fps_body(x_ref, y_ref, z_ref, nx_ref, ny_ref, nz_ref, gidx_ref, dist_ref):
    nb = _N // _BN
    dist_ref[...] = jnp.full((_B, _N), 1e10, jnp.float32)
    lane = lax.broadcasted_iota(jnp.int32, (_B, _BN), 1)
    klane = lax.broadcasted_iota(jnp.int32, (_B, _K), 1)

    def step(k, carry):
        far, cx, cy, cz, nx, ny, nz, gx = carry
        sel = klane == k
        nx = jnp.where(sel, cx, nx)
        ny = jnp.where(sel, cy, ny)
        nz = jnp.where(sel, cz, nz)
        gx = jnp.where(sel, far, gx)
        bv = jnp.full((_B, _BN), -1.0, jnp.float32)
        bi = jnp.zeros((_B, _BN), jnp.int32)
        bx = jnp.zeros((_B, _BN), jnp.float32)
        by = jnp.zeros((_B, _BN), jnp.float32)
        bz = jnp.zeros((_B, _BN), jnp.float32)
        for j in range(nb):
            sl = pl.ds(j * _BN, _BN)
            xj = x_ref[:, sl]
            yj = y_ref[:, sl]
            zj = z_ref[:, sl]
            dx = xj - cx
            dy = yj - cy
            dz = zj - cz
            d = dx * dx + dy * dy + dz * dz
            nd = jnp.minimum(dist_ref[:, sl], d)
            dist_ref[:, sl] = nd
            m = nd > bv
            bv = jnp.where(m, nd, bv)
            bi = jnp.where(m, lane + (j * _BN), bi)
            bx = jnp.where(m, xj, bx)
            by = jnp.where(m, yj, by)
            bz = jnp.where(m, zj, bz)
        mv = jnp.max(bv, axis=1, keepdims=True)
        cand = jnp.where(bv == mv, bi, _N)
        fi = jnp.min(cand, axis=1, keepdims=True)
        m3 = bi == fi
        ncx = jnp.sum(jnp.where(m3, bx, 0.0), axis=1, keepdims=True)
        ncy = jnp.sum(jnp.where(m3, by, 0.0), axis=1, keepdims=True)
        ncz = jnp.sum(jnp.where(m3, bz, 0.0), axis=1, keepdims=True)
        return fi, ncx, ncy, ncz, nx, ny, nz, gx

    far0 = jnp.zeros((_B, 1), jnp.int32)
    z0i = klane + lax.broadcasted_iota(jnp.int32, (_B, _K), 0)
    z0f = z0i.astype(jnp.float32)
    init = (far0, x_ref[:, 0:1], y_ref[:, 0:1], z_ref[:, 0:1], z0f, z0f, z0f, z0i)
    _, _, _, _, nx, ny, nz, gx = lax.fori_loop(0, _K, step, init)
    nx_ref[...] = nx
    ny_ref[...] = ny
    nz_ref[...] = nz
    gidx_ref[...] = gx + lax.broadcasted_iota(jnp.int32, (_B, _K), 0) * _N


_fps = pl.pallas_call(
    _fps_body,
    out_shape=[
        jax.ShapeDtypeStruct((_B, _K), jnp.float32),
        jax.ShapeDtypeStruct((_B, _K), jnp.float32),
        jax.ShapeDtypeStruct((_B, _K), jnp.float32),
        jax.ShapeDtypeStruct((_B, _K), jnp.int32),
    ],
    scratch_shapes=[pltpu.VMEM((_B, _N), jnp.float32)],
)


def _make_gather():
    info = plsc.get_sparse_core_info()
    nc, ns = info.num_cores, info.num_subcores
    nw = nc * ns
    rows = _B * _K
    rpw = rows // nw
    chunks = rpw // 128
    mesh = plsc.VectorSubcoreMesh(core_axis_name="c", subcore_axis_name="s")

    @functools.partial(
        pl.kernel,
        mesh=mesh,
        out_type=jax.ShapeDtypeStruct((rows, _C), jnp.float32),
        scratch_types=[
            pltpu.VMEM((chunks, 128), jnp.int32),
            pltpu.VMEM((rpw, _C), jnp.float32),
            pltpu.SemaphoreType.DMA,
        ],
    )
    def gather(table_hbm, idx_hbm, out_hbm, idx_v, rows_v, sem):
        wid = lax.axis_index("s") * nc + lax.axis_index("c")
        base = wid * rpw
        pltpu.sync_copy(idx_hbm.at[pl.ds(wid * chunks, chunks)], idx_v)
        copies = [
            pltpu.async_copy(
                table_hbm.at[idx_v.at[t]],
                rows_v.at[pl.ds(t * 128, 128)],
                sem,
            )
            for t in range(chunks)
        ]
        for c in copies:
            c.wait()
        pltpu.sync_copy(rows_v, out_hbm.at[pl.ds(base, rpw)])

    return gather


def kernel(xyz, feature):
    x = xyz[:, 0, :]
    y = xyz[:, 1, :]
    z = xyz[:, 2, :]
    nx, ny, nz, gidx = _fps(x, y, z)
    node_static = jnp.stack([nx, ny, nz], axis=1)
    table = feature.transpose(0, 2, 1).reshape(_B * _N, _C)
    idx2d = gidx.reshape(-1, 128)
    rows = _make_gather()(table, idx2d)
    node_feature = rows.reshape(_B, _K, _C).transpose(0, 2, 1)
    return node_static, node_feature

# --- scband reference (transcript-rebuilt; emitter-appended) ---
"""Pipeline reference for scband-pool-fps-5806795784775 (READ-ONLY COPY).

The authoritative reference and input builder live on the scoring server;
editing this copy changes nothing except your own understanding.
"""

import jax, jax.numpy as jnp
import numpy as np

B, N, C, K = 16, 8192, 128, 512


def setup_inputs(seed: int = 0):
    key = jax.random.key(seed)
    k1, k2 = jax.random.split(key)
    xyz = jax.random.normal(k1, (B, 3, N), dtype=jnp.float32)
    feature = jax.random.normal(k2, (B, C, N), dtype=jnp.float32)
    return {"xyz": xyz, "feature": feature}


def furthest_point_sample(points, k):
    # points: [B, N, 3] -> indices [B, k] (int32), matching pointnet2_utils.furthest_point_sample
    b, n, _ = points.shape

    def body(i, state):
        idxs, dist, farthest = state
        idxs = idxs.at[:, i].set(farthest)
        centroid = jnp.take_along_axis(points, farthest[:, None, None], axis=1)  # [B,1,3]
        d = jnp.sum((points - centroid) ** 2, axis=-1)  # [B,N]
        dist = jnp.minimum(dist, d)
        farthest = jnp.argmax(dist, axis=-1).astype(jnp.int32)
        return (idxs, dist, farthest)

    idxs0 = jnp.zeros((b, k), dtype=jnp.int32)
    dist0 = jnp.full((b, n), 1e10, dtype=jnp.float32)
    far0 = jnp.zeros((b,), dtype=jnp.int32)
    idxs, _, _ = jax.lax.fori_loop(0, k, body, (idxs0, dist0, far0))
    return idxs


def reference(xyz, feature):
    # xyz: [B, 3, N], feature: [B, C, N]
    b = xyz.shape[0]
    idx = furthest_point_sample(jnp.transpose(xyz, (0, 2, 1)), K)  # [B, K]
    idx = idx.astype(jnp.int64)
    xyz_idx = jnp.broadcast_to(idx[:, None, :], (b, xyz.shape[1], K))
    node_static = jnp.take_along_axis(xyz, xyz_idx, axis=2)  # [B, 3, K]
    feat_idx = jnp.broadcast_to(idx[:, None, :], (b, feature.shape[1], K))
    node_feature = jnp.take_along_axis(feature, feat_idx, axis=2)  # [B, C, K]
    return (node_static, node_feature)

if __name__ == "__main__":
    import jax
    _d = setup_inputs()
    print(jax.jit(kernel)(*tuple(_d.values())))

</pallas_src>

<mosaic_0001>
#map = affine_map<(d0, d1) -> (0, 0)>
module attributes {stable_mosaic.version = 14 : i64} {
  func.func @gather(%arg0: i32, %arg1: i32, %arg2: memref<131072x128xf32, #tpu.memory_space<hbm>>, %arg3: memref<64x128xi32, #tpu.memory_space<hbm>>, %arg4: memref<8192x128xf32, #tpu.memory_space<hbm>>, %arg5: memref<2x128xi32, #tpu.memory_space<vmem>>, %arg6: memref<256x128xf32, #tpu.memory_space<vmem>>, %arg7: memref<!tpu.dma_semaphore, #tpu.memory_space<semaphore_mem>>) attributes {dimension_semantics = [#tpu.dimension_semantics<core_parallel>, #tpu.dimension_semantics<subcore_parallel>], iteration_bounds = array<i64: 2, 16>, scalar_prefetch = 0 : i64, scratch_operands = 3 : i64, tpu.core_type = #tpu.core_type<sc_vector_subcore>, window_params = [{transform_indices = #map}, {transform_indices = #map}, {transform_indices = #map}]} {
    %mul3A = arith.constant 2 : i32
    %mul3A_0 = arith.muli %arg1, %mul3A : i32
    %add3A = arith.addi %mul3A_0, %arg0 : i32
    %mul3A_1 = arith.constant 256 : i32
    %mul3A_2 = arith.muli %add3A, %mul3A_1 : i32
    %mul3A_3 = arith.constant 2 : i32
    %mul3A_4 = arith.muli %add3A, %mul3A_3 : i32
    "tpu.region"() ({
      %run_scoped3A = tpu.sem_alloc : memref<!tpu.dma_semaphore, #tpu.memory_space<semaphore_mem>>
      %dma_start3A_43 = arith.constant 0 : i32
      %dma_start3A_44 = tpu.memref_slice %arg3[%mul3A_4, %dma_start3A_43] : memref<64x128xi32, #tpu.memory_space<hbm>> -> memref<2x128xi32, #tpu.memory_space<hbm>>
      %dma_start3A_45 = arith.constant 0 : i32
      %dma_start3A_46 = tpu.memref_slice %arg3[%mul3A_4, %dma_start3A_45] : memref<64x128xi32, #tpu.memory_space<hbm>> -> memref<2x128xi32, #tpu.memory_space<hbm>>
      tpu.enqueue_dma source(%dma_start3A_46 : memref<2x128xi32, #tpu.memory_space<hbm>>) target(%arg5 : memref<2x128xi32, #tpu.memory_space<vmem>>) target_semaphore(%run_scoped3A : memref<!tpu.dma_semaphore, #tpu.memory_space<semaphore_mem>>)
      %dma_wait3A_47 = arith.constant 0 : i32
      %dma_wait3A_48 = tpu.memref_slice %arg3[%mul3A_4, %dma_wait3A_47] : memref<64x128xi32, #tpu.memory_space<hbm>> -> memref<2x128xi32, #tpu.memory_space<hbm>>
      %dma_wait3A_49 = arith.constant 0 : i32
      %dma_wait3A_50 = tpu.memref_slice %arg3[%mul3A_4, %dma_wait3A_49] : memref<64x128xi32, #tpu.memory_space<hbm>> -> memref<2x128xi32, #tpu.memory_space<hbm>>
      tpu.wait_dma2 semaphore(%run_scoped3A : memref<!tpu.dma_semaphore, #tpu.memory_space<semaphore_mem>>) src(%dma_wait3A_50 : memref<2x128xi32, #tpu.memory_space<hbm>>) dst(%arg5 : memref<2x128xi32, #tpu.memory_space<vmem>>)
      tpu.yield
    }) : () -> ()
    %dma_start3A = arith.constant 0 : i32
    %dma_start3A_5 = arith.constant 0 : i32
    %dma_start3A_6 = arith.constant 0 : i32
    %dma_start3A_7 = tpu.memref_slice %arg6[%dma_start3A_5, %dma_start3A_6] : memref<256x128xf32, #tpu.memory_space<vmem>> -> memref<128x128xf32, #tpu.memory_space<vmem>>
    %dma_start3A_8 = arith.constant 0 : i32
    %dma_start3A_9 = tpu.memref_slice %arg5[%dma_start3A, %dma_start3A_8] : memref<2x128xi32, #tpu.memory_space<vmem>> -> memref<1x128xi32, #tpu.memory_space<vmem>>
    %dma_start3A_10 = tpu.memref_squeeze %dma_start3A_9 : memref<1x128xi32, #tpu.memory_space<vmem>> -> memref<128xi32, #tpu.memory_space<vmem>>
    %dma_start3A_11 = arith.constant 0 : i32
    %dma_start3A_12 = arith.constant 0 : i32
    %dma_start3A_13 = tpu.memref_slice %arg2[%dma_start3A_11, %dma_start3A_12] : memref<131072x128xf32, #tpu.memory_space<hbm>> -> memref<131072x128xf32, #tpu.memory_space<hbm>>
    tpu.enqueue_indirect_dma source(%dma_start3A_13 : memref<131072x128xf32, #tpu.memory_space<hbm>>) target(%dma_start3A_7 : memref<128x128xf32, #tpu.memory_space<vmem>>) offsets(%dma_start3A_10 : memref<128xi32, #tpu.memory_space<vmem>>) semaphore(%arg7 : memref<!tpu.dma_semaphore, #tpu.memory_space<semaphore_mem>>)
    %dma_start3A_14 = arith.constant 1 : i32
    %dma_start3A_15 = arith.constant 128 : i32
    %dma_start3A_16 = arith.constant 0 : i32
    %dma_start3A_17 = tpu.memref_slice %arg6[%dma_start3A_15, %dma_start3A_16] : memref<256x128xf32, #tpu.memory_space<vmem>> -> memref<128x128xf32, #tpu.memory_space<vmem>>
    %dma_start3A_18 = arith.constant 0 : i32
    %dma_start3A_19 = tpu.memref_slice %arg5[%dma_start3A_14, %dma_start3A_18] : memref<2x128xi32, #tpu.memory_space<vmem>> -> memref<1x128xi32, #tpu.memory_space<vmem>>
    %dma_start3A_20 = tpu.memref_squeeze %dma_start3A_19 : memref<1x128xi32, #tpu.memory_space<vmem>> -> memref<128xi32, #tpu.memory_space<vmem>>
    %dma_start3A_21 = arith.constant 0 : i32
    %dma_start3A_22 = arith.constant 0 : i32
    %dma_start3A_23 = tpu.memref_slice %arg2[%dma_start3A_21, %dma_start3A_22] : memref<131072x128xf32, #tpu.memory_space<hbm>> -> memref<131072x128xf32, #tpu.memory_space<hbm>>
    tpu.enqueue_indirect_dma source(%dma_start3A_23 : memref<131072x128xf32, #tpu.memory_space<hbm>>) target(%dma_start3A_17 : memref<128x128xf32, #tpu.memory_space<vmem>>) offsets(%dma_start3A_20 : memref<128xi32, #tpu.memory_space<vmem>>) semaphore(%arg7 : memref<!tpu.dma_semaphore, #tpu.memory_space<semaphore_mem>>)
    %dma_wait3A = arith.constant 0 : i32
    %dma_wait3A_24 = arith.constant 0 : i32
    %dma_wait3A_25 = arith.constant 0 : i32
    %dma_wait3A_26 = tpu.memref_slice %arg6[%dma_wait3A_24, %dma_wait3A_25] : memref<256x128xf32, #tpu.memory_space<vmem>> -> memref<128x128xf32, #tpu.memory_space<vmem>>
    %dma_wait3A_27 = arith.constant 0 : i32
    %dma_wait3A_28 = tpu.memref_slice %arg5[%dma_wait3A, %dma_wait3A_27] : memref<2x128xi32, #tpu.memory_space<vmem>> -> memref<1x128xi32, #tpu.memory_space<vmem>>
    %dma_wait3A_29 = tpu.memref_squeeze %dma_wait3A_28 : memref<1x128xi32, #tpu.memory_space<vmem>> -> memref<128xi32, #tpu.memory_space<vmem>>
    %dma_wait3A_30 = arith.constant 0 : i32
    %dma_wait3A_31 = arith.constant 0 : i32
    %dma_wait3A_32 = tpu.memref_slice %arg2[%dma_wait3A_30, %dma_wait3A_31] : memref<131072x128xf32, #tpu.memory_space<hbm>> -> memref<131072x128xf32, #tpu.memory_space<hbm>>
    tpu.wait_indirect_dma semaphore(%arg7 : memref<!tpu.dma_semaphore, #tpu.memory_space<semaphore_mem>>) src(%dma_wait3A_32 : memref<131072x128xf32, #tpu.memory_space<hbm>>) dst(%dma_wait3A_26 : memref<128x128xf32, #tpu.memory_space<vmem>>)
    %dma_wait3A_33 = arith.constant 1 : i32
    %dma_wait3A_34 = arith.constant 128 : i32
    %dma_wait3A_35 = arith.constant 0 : i32
    %dma_wait3A_36 = tpu.memref_slice %arg6[%dma_wait3A_34, %dma_wait3A_35] : memref<256x128xf32, #tpu.memory_space<vmem>> -> memref<128x128xf32, #tpu.memory_space<vmem>>
    %dma_wait3A_37 = arith.constant 0 : i32
    %dma_wait3A_38 = tpu.memref_slice %arg5[%dma_wait3A_33, %dma_wait3A_37] : memref<2x128xi32, #tpu.memory_space<vmem>> -> memref<1x128xi32, #tpu.memory_space<vmem>>
    %dma_wait3A_39 = tpu.memref_squeeze %dma_wait3A_38 : memref<1x128xi32, #tpu.memory_space<vmem>> -> memref<128xi32, #tpu.memory_space<vmem>>
    %dma_wait3A_40 = arith.constant 0 : i32
    %dma_wait3A_41 = arith.constant 0 : i32
    %dma_wait3A_42 = tpu.memref_slice %arg2[%dma_wait3A_40, %dma_wait3A_41] : memref<131072x128xf32, #tpu.memory_space<hbm>> -> memref<131072x128xf32, #tpu.memory_space<hbm>>
    tpu.wait_indirect_dma semaphore(%arg7 : memref<!tpu.dma_semaphore, #tpu.memory_space<semaphore_mem>>) src(%dma_wait3A_42 : memref<131072x128xf32, #tpu.memory_space<hbm>>) dst(%dma_wait3A_36 : memref<128x128xf32, #tpu.memory_space<vmem>>)
    "tpu.region"() ({
      %run_scoped3A = tpu.sem_alloc : memref<!tpu.dma_semaphore, #tpu.memory_space<semaphore_mem>>
      %dma_start3A_43 = arith.constant 0 : i32
      %dma_start3A_44 = tpu.memref_slice %arg4[%mul3A_2, %dma_start3A_43] : memref<8192x128xf32, #tpu.memory_space<hbm>> -> memref<256x128xf32, #tpu.memory_space<hbm>>
      %dma_start3A_45 = arith.constant 0 : i32
      %dma_start3A_46 = tpu.memref_slice %arg4[%mul3A_2, %dma_start3A_45] : memref<8192x128xf32, #tpu.memory_space<hbm>> -> memref<256x128xf32, #tpu.memory_space<hbm>>
      tpu.enqueue_dma source(%arg6 : memref<256x128xf32, #tpu.memory_space<vmem>>) target(%dma_start3A_46 : memref<256x128xf32, #tpu.memory_space<hbm>>) target_semaphore(%run_scoped3A : memref<!tpu.dma_semaphore, #tpu.memory_space<semaphore_mem>>)
      %dma_wait3A_47 = arith.constant 0 : i32
      %dma_wait3A_48 = tpu.memref_slice %arg4[%mul3A_2, %dma_wait3A_47] : memref<8192x128xf32, #tpu.memory_space<hbm>> -> memref<256x128xf32, #tpu.memory_space<hbm>>
      %dma_wait3A_49 = arith.constant 0 : i32
      %dma_wait3A_50 = tpu.memref_slice %arg4[%mul3A_2, %dma_wait3A_49] : memref<8192x128xf32, #tpu.memory_space<hbm>> -> memref<256x128xf32, #tpu.memory_space<hbm>>
      tpu.wait_dma2 semaphore(%run_scoped3A : memref<!tpu.dma_semaphore, #tpu.memory_space<semaphore_mem>>) src(%arg6 : memref<256x128xf32, #tpu.memory_space<vmem>>) dst(%dma_wait3A_50 : memref<256x128xf32, #tpu.memory_space<hbm>>)
      tpu.yield
    }) : () -> ()
    return
  }
}

module attributes {stable_mosaic.version = 14 : i64} {
  func.func @_fps_body(%arg0: memref<16x8192xf32, #tpu.memory_space<vmem>>, %arg1: memref<16x8192xf32, #tpu.memory_space<vmem>>, %arg2: memref<16x8192xf32, #tpu.memory_space<vmem>>, %arg3: memref<16x512xf32, #tpu.memory_space<vmem>>, %arg4: memref<16x512xf32, #tpu.memory_space<vmem>>, %arg5: memref<16x512xf32, #tpu.memory_space<vmem>>, %arg6: memref<16x512xi32, #tpu.memory_space<vmem>>, %arg7: memref<16x8192xf32, #tpu.memory_space<vmem>>) attributes {dimension_semantics = [], scalar_prefetch = 0 : i64, scratch_operands = 1 : i64, tpu.core_type = #tpu.core_type<tc>} {
    %broadcast_in_dim3A = arith.constant 1.000000e+10 : f32
    %broadcast_in_dim3A_0 = vector.broadcast %broadcast_in_dim3A : f32 to vector<16x8192xf32>
    %swap3A = arith.constant 0 : index
    %swap3A_1 = arith.constant 0 : index
    %swap3A_2 = vector.load %arg7[%swap3A, %swap3A_1] : memref<16x8192xf32, #tpu.memory_space<vmem>>, vector<16x8192xf32>
    tpu.vector_store %arg7[%swap3A, %swap3A_1], %broadcast_in_dim3A_0 {strides = array<i32>} : memref<16x8192xf32, #tpu.memory_space<vmem>>, vector<16x8192xf32>,
    %iota3A = tpu.iota {dimensions = array<i32: 1>} : vector<16x512xi32>
    %iota3A_3 = tpu.iota {dimensions = array<i32: 1>} : vector<16x512xi32>
    %broadcast_in_dim3A_4 = arith.constant 0 : i32
    %broadcast_in_dim3A_5 = vector.broadcast %broadcast_in_dim3A_4 : i32 to vector<16x1xi32>
    %iota3A_6 = tpu.iota {dimensions = array<i32: 0>} : vector<16x512xi32>
    %add3A = arith.addi %iota3A_3, %iota3A_6 : vector<16x512xi32>
    %convert_element_type3A = arith.sitofp %add3A : vector<16x512xi32> to vector<16x512xf32>
    %get3A = arith.constant 0 : index
    %get3A_7 = arith.constant 0 : index
    %get3A_8 = vector.load %arg0[%get3A, %get3A_7] : memref<16x8192xf32, #tpu.memory_space<vmem>>, vector<16x1xf32>
    %get3A_9 = arith.constant 0 : index
    %get3A_10 = arith.constant 0 : index
    %get3A_11 = vector.load %arg1[%get3A_9, %get3A_10] : memref<16x8192xf32, #tpu.memory_space<vmem>>, vector<16x1xf32>
    %get3A_12 = arith.constant 0 : index
    %get3A_13 = arith.constant 0 : index
    %get3A_14 = vector.load %arg2[%get3A_12, %get3A_13] : memref<16x8192xf32, #tpu.memory_space<vmem>>, vector<16x1xf32>
    %scan3A = arith.constant 0 : i32
    %scan3A_15 = arith.constant 512 : i32
    %scan3A_16 = arith.addi %scan3A, %scan3A_15 : i32
    %scan3A_17 = arith.constant 1 : i32
    %scan3A_18:8 = scf.for %scan3A_36 = %scan3A to %scan3A_16 step %scan3A_17 iter_args(%scan3A_37 = %broadcast_in_dim3A_5, %scan3A_38 = %get3A_8, %scan3A_39 = %get3A_11, %scan3A_40 = %get3A_14, %scan3A_41 = %convert_element_type3A, %scan3A_42 = %convert_element_type3A, %scan3A_43 = %convert_element_type3A, %scan3A_44 = %add3A) -> (vector<16x1xi32>, vector<16x1xf32>, vector<16x1xf32>, vector<16x1xf32>, vector<16x512xf32>, vector<16x512xf32>, vector<16x512xf32>, vector<16x512xi32>)  : i32 {
      %eq3A = vector.broadcast %scan3A_36 : i32 to vector<16x512xi32>
      %eq3A_45 = arith.cmpi eq, %iota3A_3, %eq3A : vector<16x512xi32>
      %broadcast_in_dim3A_46 = vector.shape_cast %scan3A_38 : vector<16x1xf32> to vector<16x1xf32>
      %broadcast_in_dim3A_47 = vector.broadcast %broadcast_in_dim3A_46 : vector<16x1xf32> to vector<16x512xf32>
      %select_n3A = arith.select %eq3A_45, %broadcast_in_dim3A_47, %scan3A_41 : vector<16x512xi1>, vector<16x512xf32>
      %broadcast_in_dim3A_48 = vector.shape_cast %scan3A_39 : vector<16x1xf32> to vector<16x1xf32>
      %broadcast_in_dim3A_49 = vector.broadcast %broadcast_in_dim3A_48 : vector<16x1xf32> to vector<16x512xf32>
      %select_n3A_50 = arith.select %eq3A_45, %broadcast_in_dim3A_49, %scan3A_42 : vector<16x512xi1>, vector<16x512xf32>
      %broadcast_in_dim3A_51 = vector.shape_cast %scan3A_40 : vector<16x1xf32> to vector<16x1xf32>
      %broadcast_in_dim3A_52 = vector.broadcast %broadcast_in_dim3A_51 : vector<16x1xf32> to vector<16x512xf32>
      %select_n3A_53 = arith.select %eq3A_45, %broadcast_in_dim3A_52, %scan3A_43 : vector<16x512xi1>, vector<16x512xf32>
      %broadcast_in_dim3A_54 = vector.shape_cast %scan3A_37 : vector<16x1xi32> to vector<16x1xi32>
      %broadcast_in_dim3A_55 = vector.broadcast %broadcast_in_dim3A_54 : vector<16x1xi32> to vector<16x512xi32>
      %select_n3A_56 = arith.select %eq3A_45, %broadcast_in_dim3A_55, %scan3A_44 : vector<16x512xi1>, vector<16x512xi32>
      %broadcast_in_dim3A_57 = arith.constant -1.000000e+00 : f32
      %broadcast_in_dim3A_58 = vector.broadcast %broadcast_in_dim3A_57 : f32 to vector<16x512xf32>
      %broadcast_in_dim3A_59 = arith.constant 0 : i32
      %broadcast_in_dim3A_60 = vector.broadcast %broadcast_in_dim3A_59 : i32 to vector<16x512xi32>
      %broadcast_in_dim3A_61 = arith.constant 0.000000e+00 : f32
      %broadcast_in_dim3A_62 = vector.broadcast %broadcast_in_dim3A_61 : f32 to vector<16x512xf32>
      %broadcast_in_dim3A_63 = arith.constant 0.000000e+00 : f32
      %broadcast_in_dim3A_64 = vector.broadcast %broadcast_in_dim3A_63 : f32 to vector<16x512xf32>
      %broadcast_in_dim3A_65 = arith.constant 0.000000e+00 : f32
      %broadcast_in_dim3A_66 = vector.broadcast %broadcast_in_dim3A_65 : f32 to vector<16x512xf32>
      %get3A_67 = arith.constant 0 : index
      %get3A_68 = arith.constant 0 : index
      %get3A_69 = vector.load %arg0[%get3A_67, %get3A_68] : memref<16x8192xf32, #tpu.memory_space<vmem>>, vector<16x512xf32>
      %get3A_70 = arith.constant 0 : index
      %get3A_71 = arith.constant 0 : index
      %get3A_72 = vector.load %arg1[%get3A_70, %get3A_71] : memref<16x8192xf32, #tpu.memory_space<vmem>>, vector<16x512xf32>
      %get3A_73 = arith.constant 0 : index
      %get3A_74 = arith.constant 0 : index
      %get3A_75 = vector.load %arg2[%get3A_73, %get3A_74] : memref<16x8192xf32, #tpu.memory_space<vmem>>, vector<16x512xf32>
      %sub3A = vector.broadcast %scan3A_38 : vector<16x1xf32> to vector<16x512xf32>
      %sub3A_76 = arith.subf %get3A_69, %sub3A : vector<16x512xf32>
      %sub3A_77 = vector.broadcast %scan3A_39 : vector<16x1xf32> to vector<16x512xf32>
      %sub3A_78 = arith.subf %get3A_72, %sub3A_77 : vector<16x512xf32>
      %sub3A_79 = vector.broadcast %scan3A_40 : vector<16x1xf32> to vector<16x512xf32>
      %sub3A_80 = arith.subf %get3A_75, %sub3A_79 : vector<16x512xf32>
      %mul3A_81 = arith.mulf %sub3A_76, %sub3A_76 : vector<16x512xf32>
      %mul3A_82 = arith.mulf %sub3A_78, %sub3A_78 : vector<16x512xf32>
      %add3A_83 = arith.addf %mul3A_81, %mul3A_82 : vector<16x512xf32>
      %mul3A_84 = arith.mulf %sub3A_80, %sub3A_80 : vector<16x512xf32>
      %add3A_85 = arith.addf %add3A_83, %mul3A_84 : vector<16x512xf32>
      %get3A_86 = arith.constant 0 : index
      %get3A_87 = arith.constant 0 : index
      %get3A_88 = vector.load %arg7[%get3A_86, %get3A_87] : memref<16x8192xf32, #tpu.memory_space<vmem>>, vector<16x512xf32>
      %min3A = arith.minimumf %get3A_88, %add3A_85 : vector<16x512xf32>
      %swap3A_89 = arith.constant 0 : index
      %swap3A_90 = arith.constant 0 : index
      %swap3A_91 = vector.load %arg7[%swap3A_89, %swap3A_90] : memref<16x8192xf32, #tpu.memory_space<vmem>>, vector<16x512xf32>
      tpu.vector_store %arg7[%swap3A_89, %swap3A_90], %min3A {strides = array<i32>} : memref<16x8192xf32, #tpu.memory_space<vmem>>, vector<16x512xf32>,
      %gt3A = arith.cmpf ogt, %min3A, %broadcast_in_dim3A_58 : vector<16x512xf32>
      %select_n3A_92 = arith.select %gt3A, %min3A, %broadcast_in_dim3A_58 : vector<16x512xi1>, vector<16x512xf32>
      %add3A_93 = arith.constant 0 : i32
      %add3A_94 = vector.broadcast %add3A_93 : i32 to vector<16x512xi32>
      %add3A_95 = arith.addi %iota3A, %add3A_94 : vector<16x512xi32>
      %select_n3A_96 = arith.select %gt3A, %add3A_95, %broadcast_in_dim3A_60 : vector<16x512xi1>, vector<16x512xi32>
      %select_n3A_97 = arith.select %gt3A, %get3A_69, %broadcast_in_dim3A_62 : vector<16x512xi1>, vector<16x512xf32>
      %select_n3A_98 = arith.select %gt3A, %get3A_72, %broadcast_in_dim3A_64 : vector<16x512xi1>, vector<16x512xf32>
      %select_n3A_99 = arith.select %gt3A, %get3A_75, %broadcast_in_dim3A_66 : vector<16x512xi1>, vector<16x512xf32>
      %get3A_100 = arith.constant 0 : index
      %get3A_101 = arith.constant 512 : index
      %get3A_102 = vector.load %arg0[%get3A_100, %get3A_101] : memref<16x8192xf32, #tpu.memory_space<vmem>>, vector<16x512xf32>
      %get3A_103 = arith.constant 0 : index
      %get3A_104 = arith.constant 512 : index
      %get3A_105 = vector.load %arg1[%get3A_103, %get3A_104] : memref<16x8192xf32, #tpu.memory_space<vmem>>, vector<16x512xf32>
      %get3A_106 = arith.constant 0 : index
      %get3A_107 = arith.constant 512 : index
      %get3A_108 = vector.load %arg2[%get3A_106, %get3A_107] : memref<16x8192xf32, #tpu.memory_space<vmem>>, vector<16x512xf32>
      %sub3A_109 = vector.broadcast %scan3A_38 : vector<16x1xf32> to vector<16x512xf32>
      %sub3A_110 = arith.subf %get3A_102, %sub3A_109 : vector<16x512xf32>
      %sub3A_111 = vector.broadcast %scan3A_39 : vector<16x1xf32> to vector<16x512xf32>
      %sub3A_112 = arith.subf %get3A_105, %sub3A_111 : vector<16x512xf32>
      %sub3A_113 = vector.broadcast %scan3A_40 : vector<16x1xf32> to vector<16x512xf32>
      %sub3A_114 = arith.subf %get3A_108, %sub3A_113 : vector<16x512xf32>
      %mul3A_115 = arith.mulf %sub3A_110, %sub3A_110 : vector<16x512xf32>
      %mul3A_116 = arith.mulf %sub3A_112, %sub3A_112 : vector<16x512xf32>
      %add3A_117 = arith.addf %mul3A_115, %mul3A_116 : vector<16x512xf32>
      %mul3A_118 = arith.mulf %sub3A_114, %sub3A_114 : vector<16x512xf32>
      %add3A_119 = arith.addf %add3A_117, %mul3A_118 : vector<16x512xf32>
      %get3A_120 = arith.constant 0 : index
      %get3A_121 = arith.constant 512 : index
      %get3A_122 = vector.load %arg7[%get3A_120, %get3A_121] : memref<16x8192xf32, #tpu.memory_space<vmem>>, vector<16x512xf32>
      %min3A_123 = arith.minimumf %get3A_122, %add3A_119 : vector<16x512xf32>
      %swap3A_124 = arith.constant 0 : index
      %swap3A_125 = arith.constant 512 : index
      %swap3A_126 = vector.load %arg7[%swap3A_124, %swap3A_125] : memref<16x8192xf32, #tpu.memory_space<vmem>>, vector<16x512xf32>
      tpu.vector_store %arg7[%swap3A_124, %swap3A_125], %min3A_123 {strides = array<i32>} : memref<16x8192xf32, #tpu.memory_space<vmem>>, vector<16x512xf32>,
      %gt3A_127 = arith.cmpf ogt, %min3A_123, %select_n3A_92 : vector<16x512xf32>
      %select_n3A_128 = arith.select %gt3A_127, %min3A_123, %select_n3A_92 : vector<16x512xi1>, vector<16x512xf32>
      %add3A_129 = arith.constant 512 : i32
      %add3A_130 = vector.broadcast %add3A_129 : i32 to vector<16x512xi32>
      %add3A_131 = arith.addi %iota3A, %add3A_130 : vector<16x512xi32>
      %select_n3A_132 = arith.select %gt3A_127, %add3A_131, %select_n3A_96 : vector<16x512xi1>, vector<16x512xi32>
      %select_n3A_133 = arith.select %gt3A_127, %get3A_102, %select_n3A_97 : vector<16x512xi1>, vector<16x512xf32>
      %select_n3A_134 = arith.select %gt3A_127, %get3A_105, %select_n3A_98 : vector<16x512xi1>, vector<16x512xf32>
      %select_n3A_135 = arith.select %gt3A_127, %get3A_108, %select_n3A_99 : vector<16x512xi1>, vector<16x512xf32>
      %get3A_136 = arith.constant 0 : index
      %get3A_137 = arith.constant 1024 : index
      %get3A_138 = vector.load %arg0[%get3A_136, %get3A_137] : memref<16x8192xf32, #tpu.memory_space<vmem>>, vector<16x512xf32>
      %get3A_139 = arith.constant 0 : index
      %get3A_140 = arith.constant 1024 : index
      %get3A_141 = vector.load %arg1[%get3A_139, %get3A_140] : memref<16x8192xf32, #tpu.memory_space<vmem>>, vector<16x512xf32>
      %get3A_142 = arith.constant 0 : index
      %get3A_143 = arith.constant 1024 : index
      %get3A_144 = vector.load %arg2[%get3A_142, %get3A_143] : memref<16x8192xf32, #tpu.memory_space<vmem>>, vector<16x512xf32>
      %sub3A_145 = vector.broadcast %scan3A_38 : vector<16x1xf32> to vector<16x512xf32>
      %sub3A_146 = arith.subf %get3A_138, %sub3A_145 : vector<16x512xf32>
      %sub3A_147 = vector.broadcast %scan3A_39 : vector<16x1xf32> to vector<16x512xf32>
      %sub3A_148 = arith.subf %get3A_141, %sub3A_147 : vector<16x512xf32>
      %sub3A_149 = vector.broadcast %scan3A_40 : vector<16x1xf32> to vector<16x512xf32>
      %sub3A_150 = arith.subf %get3A_144, %sub3A_149 : vector<16x512xf32>
      %mul3A_151 = arith.mulf %sub3A_146, %sub3A_146 : vector<16x512xf32>
      %mul3A_152 = arith.mulf %sub3A_148, %sub3A_148 : vector<16x512xf32>
      %add3A_153 = arith.addf %mul3A_151, %mul3A_152 : vector<16x512xf32>
      %mul3A_154 = arith.mulf %sub3A_150, %sub3A_150 : vector<16x512xf32>
      %add3A_155 = arith.addf %add3A_153, %mul3A_154 : vector<16x512xf32>
      %get3A_156 = arith.constant 0 : index
      %get3A_157 = arith.constant 1024 : index
      %get3A_158 = vector.load %arg7[%get3A_156, %get3A_157] : memref<16x8192xf32, #tpu.memory_space<vmem>>, vector<16x512xf32>
      %min3A_159 = arith.minimumf %get3A_158, %add3A_155 : vector<16x512xf32>
      %swap3A_160 = arith.constant 0 : index
      %swap3A_161 = arith.constant 1024 : index
      %swap3A_162 = vector.load %arg7[%swap3A_160, %swap3A_161] : memref<16x8192xf32, #tpu.memory_space<vmem>>, vector<16x512xf32>
      tpu.vector_store %arg7[%swap3A_160, %swap3A_161], %min3A_159 {strides = array<i32>} : memref<16x8192xf32, #tpu.memory_space<vmem>>, vector<16x512xf32>,
      %gt3A_163 = arith.cmpf ogt, %min3A_159, %select_n3A_128 : vector<16x512xf32>
      %select_n3A_164 = arith.select %gt3A_163, %min3A_159, %select_n3A_128 : vector<16x512xi1>, vector<16x512xf32>
      %add3A_165 = arith.constant 1024 : i32
      %add3A_166 = vector.broadcast %add3A_165 : i32 to vector<16x512xi32>
      %add3A_167 = arith.addi %iota3A, %add3A_166 : vector<16x512xi32>
      %select_n3A_168 = arith.select %gt3A_163, %add3A_167, %select_n3A_132 : vector<16x512xi1>, vector<16x512xi32>
      %select_n3A_169 = arith.select %gt3A_163, %get3A_138, %select_n3A_133 : vector<16x512xi1>, vector<16x512xf32>
      %select_n3A_170 = arith.select %gt3A_163, %get3A_141, %select_n3A_134 : vector<16x512xi1>, vector<16x512xf32>
      %select_n3A_171 = arith.select %gt3A_163, %get3A_144, %select_n3A_135 : vector<16x512xi1>, vector<16x512xf32>
      %get3A_172 = arith.constant 0 : index
      %get3A_173 = arith.constant 1536 : index
      %get3A_174 = vector.load %arg0[%get3A_172, %get3A_173] : memref<16x8192xf32, #tpu.memory_space<vmem>>, vector<16x512xf32>
      %get3A_175 = arith.constant 0 : index
      %get3A_176 = arith.constant 1536 : index
      %get3A_177 = vector.load %arg1[%get3A_175, %get3A_176] : memref<16x8192xf32, #tpu.memory_space<vmem>>, vector<16x512xf32>
      %get3A_178 = arith.constant 0 : index
      %get3A_179 = arith.constant 1536 : index
      %get3A_180 = vector.load %arg2[%get3A_178, %get3A_179] : memref<16x8192xf32, #tpu.memory_space<vmem>>, vector<16x512xf32>
      %sub3A_181 = vector.broadcast %scan3A_38 : vector<16x1xf32> to vector<16x512xf32>
      %sub3A_182 = arith.subf %get3A_174, %sub3A_181 : vector<16x512xf32>
      %sub3A_183 = vector.broadcast %scan3A_39 : vector<16x1xf32> to vector<16x512xf32>
      %sub3A_184 = arith.subf %get3A_177, %sub3A_183 : vector<16x512xf32>
      %sub3A_185 = vector.broadcast %scan3A_40 : vector<16x1xf32> to vector<16x512xf32>
      %sub3A_186 = arith.subf %get3A_180, %sub3A_185 : vector<16x512xf32>
      %mul3A_187 = arith.mulf %sub3A_182, %sub3A_182 : vector<16x512xf32>
      %mul3A_188 = arith.mulf %sub3A_184, %sub3A_184 : vector<16x512xf32>
      %add3A_189 = arith.addf %mul3A_187, %mul3A_188 : vector<16x512xf32>
      %mul3A_190 = arith.mulf %sub3A_186, %sub3A_186 : vector<16x512xf32>
      %add3A_191 = arith.addf %add3A_189, %mul3A_190 : vector<16x512xf32>
      %get3A_192 = arith.constant 0 : index
      %get3A_193 = arith.constant 1536 : index
      %get3A_194 = vector.load %arg7[%get3A_192, %get3A_193] : memref<16x8192xf32, #tpu.memory_space<vmem>>, vector<16x512xf32>
      %min3A_195 = arith.minimumf %get3A_194, %add3A_191 : vector<16x512xf32>
      %swap3A_196 = arith.constant 0 : index
      %swap3A_197 = arith.constant 1536 : index
      %swap3A_198 = vector.load %arg7[%swap3A_196, %swap3A_197] : memref<16x8192xf32, #tpu.memory_space<vmem>>, vector<16x512xf32>
      tpu.vector_store %arg7[%swap3A_196, %swap3A_197], %min3A_195 {strides = array<i32>} : memref<16x8192xf32, #tpu.memory_space<vmem>>, vector<16x512xf32>,
      %gt3A_199 = arith.cmpf ogt, %min3A_195, %select_n3A_164 : vector<16x512xf32>
      %select_n3A_200 = arith.select %gt3A_199, %min3A_195, %select_n3A_164 : vector<16x512xi1>, vector<16x512xf32>
      %add3A_201 = arith.constant 1536 : i32
      %add3A_202 = vector.broadcast %add3A_201 : i32 to vector<16x512xi32>
      %add3A_203 = arith.addi %iota3A, %add3A_202 : vector<16x512xi32>
      %select_n3A_204 = arith.select %gt3A_199, %add3A_203, %select_n3A_168 : vector<16x512xi1>, vector<16x512xi32>
      %select_n3A_205 = arith.select %gt3A_199, %get3A_174, %select_n3A_169 : vector<16x512xi1>, vector<16x512xf32>
      %select_n3A_206 = arith.select %gt3A_199, %get3A_177, %select_n3A_170 : vector<16x512xi1>, vector<16x512xf32>
      %select_n3A_207 = arith.select %gt3A_199, %get3A_180, %select_n3A_171 : vector<16x512xi1>, vector<16x512xf32>
      %get3A_208 = arith.constant 0 : index
      %get3A_209 = arith.constant 2048 : index
      %get3A_210 = vector.load %arg0[%get3A_208, %get3A_209] : memref<16x8192xf32, #tpu.memory_space<vmem>>, vector<16x512xf32>
      %get3A_211 = arith.constant 0 : index
      %get3A_212 = arith.constant 2048 : index
      %get3A_213 = vector.load %arg1[%get3A_211, %get3A_212] : memref<16x8192xf32, #tpu.memory_space<vmem>>, vector<16x512xf32>
      %get3A_214 = arith.constant 0 : index
      %get3A_215 = arith.constant 2048 : index
      %get3A_216 = vector.load %arg2[%get3A_214, %get3A_215] : memref<16x8192xf32, #tpu.memory_space<vmem>>, vector<16x512xf32>
      %sub3A_217 = vector.broadcast %scan3A_38 : vector<16x1xf32> to vector<16x512xf32>
      %sub3A_218 = arith.subf %get3A_210, %sub3A_217 : vector<16x512xf32>
      %sub3A_219 = vector.broadcast %scan3A_39 : vector<16x1xf32> to vector<16x512xf32>
      %sub3A_220 = arith.subf %get3A_213, %sub3A_219 : vector<16x512xf32>
      %sub3A_221 = vector.broadcast %scan3A_40 : vector<16x1xf32> to vector<16x512xf32>
      %sub3A_222 = arith.subf %get3A_216, %sub3A_221 : vector<16x512xf32>
      %mul3A_223 = arith.mulf %sub3A_218, %sub3A_218 : vector<16x512xf32>
      %mul3A_224 = arith.mulf %sub3A_220, %sub3A_220 : vector<16x512xf32>
      %add3A_225 = arith.addf %mul3A_223, %mul3A_224 : vector<16x512xf32>
      %mul3A_226 = arith.mulf %sub3A_222, %sub3A_222 : vector<16x512xf32>
      %add3A_227 = arith.addf %add3A_225, %mul3A_226 : vector<16x512xf32>
      %get3A_228 = arith.constant 0 : index
      %get3A_229 = arith.constant 2048 : index
      %get3A_230 = vector.load %arg7[%get3A_228, %get3A_229] : memref<16x8192xf32, #tpu.memory_space<vmem>>, vector<16x512xf32>
      %min3A_231 = arith.minimumf %get3A_230, %add3A_227 : vector<16x512xf32>
      %swap3A_232 = arith.constant 0 : index
      %swap3A_233 = arith.constant 2048 : index
      %swap3A_234 = vector.load %arg7[%swap3A_232, %swap3A_233] : memref<16x8192xf32, #tpu.memory_space<vmem>>, vector<16x512xf32>
      tpu.vector_store %arg7[%swap3A_232, %swap3A_233], %min3A_231 {strides = array<i32>} : memref<16x8192xf32, #tpu.memory_space<vmem>>, vector<16x512xf32>,
      %gt3A_235 = arith.cmpf ogt, %min3A_231, %select_n3A_200 : vector<16x512xf32>
      %select_n3A_236 = arith.select %gt3A_235, %min3A_231, %select_n3A_200 : vector<16x512xi1>, vector<16x512xf32>
      %add3A_237 = arith.constant 2048 : i32
      %add3A_238 = vector.broadcast %add3A_237 : i32 to vector<16x512xi32>
      %add3A_239 = arith.addi %iota3A, %add3A_238 : vector<16x512xi32>
      %select_n3A_240 = arith.select %gt3A_235, %add3A_239, %select_n3A_204 : vector<16x512xi1>, vector<16x512xi32>
      %select_n3A_241 = arith.select %gt3A_235, %get3A_210, %select_n3A_205 : vector<16x512xi1>, vector<16x512xf32>
      %select_n3A_242 = arith.select %gt3A_235, %get3A_213, %select_n3A_206 : vector<16x512xi1>, vector<16x512xf32>
      %select_n3A_243 = arith.select %gt3A_235, %get3A_216, %select_n3A_207 : vector<16x512xi1>, vector<16x512xf32>
      %get3A_244 = arith.constant 0 : index
      %get3A_245 = arith.constant 2560 : index
      %get3A_246 = vector.load %arg0[%get3A_244, %get3A_245] : memref<16x8192xf32, #tpu.memory_space<vmem>>, vector<16x512xf32>
      %get3A_247 = arith.constant 0 : index
      %get3A_248 = arith.constant 2560 : index
      %get3A_249 = vector.load %arg1[%get3A_247, %get3A_248] : memref<16x8192xf32, #tpu.memory_space<vmem>>, vector<16x512xf32>
      %get3A_250 = arith.constant 0 : index
      %get3A_251 = arith.constant 2560 : index
      %get3A_252 = vector.load %arg2[%get3A_250, %get3A_251] : memref<16x8192xf32, #tpu.memory_space<vmem>>, vector<16x512xf32>
      %sub3A_253 = vector.broadcast %scan3A_38 : vector<16x1xf32> to vector<16x512xf32>
      %sub3A_254 = arith.subf %get3A_246, %sub3A_253 : vector<16x512xf32>
      %sub3A_255 = vector.broadcast %scan3A_39 : vector<16x1xf32> to vector<16x512xf32>
      %sub3A_256 = arith.subf %get3A_249, %sub3A_255 : vector<16x512xf32>
      %sub3A_257 = vector.broadcast %scan3A_40 : vector<16x1xf32> to vector<16x512xf32>
      %sub3A_258 = arith.subf %get3A_252, %sub3A_257 : vector<16x512xf32>
      %mul3A_259 = arith.mulf %sub3A_254, %sub3A_254 : vector<16x512xf32>
      %mul3A_260 = arith.mulf %sub3A_256, %sub3A_256 : vector<16x512xf32>
      %add3A_261 = arith.addf %mul3A_259, %mul3A_260 : vector<16x512xf32>
      %mul3A_262 = arith.mulf %sub3A_258, %sub3A_258 : vector<16x512xf32>
      %add3A_263 = arith.addf %add3A_261, %mul3A_262 : vector<16x512xf32>
      %get3A_264 = arith.constant 0 : index
      %get3A_265 = arith.constant 2560 : index
      %get3A_266 = vector.load %arg7[%get3A_264, %get3A_265] : memref<16x8192xf32, #tpu.memory_space<vmem>>, vector<16x512xf32>
      %min3A_267 = arith.minimumf %get3A_266, %add3A_263 : vector<16x512xf32>
      %swap3A_268 = arith.constant 0 : index
      %swap3A_269 = arith.constant 2560 : index
      %swap3A_270 = vector.load %arg7[%swap3A_268, %swap3A_269] : memref<16x8192xf32, #tpu.memory_space<vmem>>, vector<16x512xf32>
      tpu.vector_store %arg7[%swap3A_268, %swap3A_269], %min3A_267 {strides = array<i32>} : memref<16x8192xf32, #tpu.memory_space<vmem>>, vector<16x512xf32>,
      %gt3A_271 = arith.cmpf ogt, %min3A_267, %select_n3A_236 : vector<16x512xf32>
      %select_n3A_272 = arith.select %gt3A_271, %min3A_267, %select_n3A_236 : vector<16x512xi1>, vector<16x512xf32>
      %add3A_273 = arith.constant 2560 : i32
      %add3A_274 = vector.broadcast %add3A_273 : i32 to vector<16x512xi32>
      %add3A_275 = arith.addi %iota3A, %add3A_274 : vector<16x512xi32>
      %select_n3A_276 = arith.select %gt3A_271, %add3A_275, %select_n3A_240 : vector<16x512xi1>, vector<16x512xi32>
      %select_n3A_277 = arith.select %gt3A_271, %get3A_246, %select_n3A_241 : vector<16x512xi1>, vector<16x512xf32>
      %select_n3A_278 = arith.select %gt3A_271, %get3A_249, %select_n3A_242 : vector<16x512xi1>, vector<16x512xf32>
      %select_n3A_279 = arith.select %gt3A_271, %get3A_252, %select_n3A_243 : vector<16x512xi1>, vector<16x512xf32>
      %get3A_280 = arith.constant 0 : index
      %get3A_281 = arith.constant 3072 : index
      %get3A_282 = vector.load %arg0[%get3A_280, %get3A_281] : memref<16x8192xf32, #tpu.memory_space<vmem>>, vector<16x512xf32>
      %get3A_283 = arith.constant 0 : index
      %get3A_284 = arith.constant 3072 : index
      %get3A_285 = vector.load %arg1[%get3A_283, %get3A_284] : memref<16x8192xf32, #tpu.memory_space<vmem>>, vector<16x512xf32>
      %get3A_286 = arith.constant 0 : index
      %get3A_287 = arith.constant 3072 : index
      %get3A_288 = vector.load %arg2[%get3A_286, %get3A_287] : memref<16x8192xf32, #tpu.memory_space<vmem>>, vector<16x512xf32>
      %sub3A_289 = vector.broadcast %scan3A_38 : vector<16x1xf32> to vector<16x512xf32>
      %sub3A_290 = arith.subf %get3A_282, %sub3A_289 : vector<16x512xf32>
      %sub3A_291 = vector.broadcast %scan3A_39 : vector<16x1xf32> to vector<16x512xf32>
      %sub3A_292 = arith.subf %get3A_285, %sub3A_291 : vector<16x512xf32>
      %sub3A_293 = vector.broadcast %scan3A_40 : vector<16x1xf32> to vector<16x512xf32>
      %sub3A_294 = arith.subf %get3A_288, %sub3A_293 : vector<16x512xf32>
      %mul3A_295 = arith.mulf %sub3A_290, %sub3A_290 : vector<16x512xf32>
      %mul3A_296 = arith.mulf %sub3A_292, %sub3A_292 : vector<16x512xf32>
      %add3A_297 = arith.addf %mul3A_295, %mul3A_296 : vector<16x512xf32>
      %mul3A_298 = arith.mulf %sub3A_294, %sub3A_294 : vector<16x512xf32>
      %add3A_299 = arith.addf %add3A_297, %mul3A_298 : vector<16x512xf32>
      %get3A_300 = arith.constant 0 : index
      %get3A_301 = arith.constant 3072 : index
      %get3A_302 = vector.load %arg7[%get3A_300, %get3A_301] : memref<16x8192xf32, #tpu.memory_space<vmem>>, vector<16x512xf32>
      %min3A_303 = arith.minimumf %get3A_302, %add3A_299 : vector<16x512xf32>
      %swap3A_304 = arith.constant 0 : index
      %swap3A_305 = arith.constant 3072 : index
      %swap3A_306 = vector.load %arg7[%swap3A_304, %swap3A_305] : memref<16x8192xf32, #tpu.memory_space<vmem>>, vector<16x512xf32>
      tpu.vector_store %arg7[%swap3A_304, %swap3A_305], %min3A_303 {strides = array<i32>} : memref<16x8192xf32, #tpu.memory_space<vmem>>, vector<16x512xf32>,
      %gt3A_307 = arith.cmpf ogt, %min3A_303, %select_n3A_272 : vector<16x512xf32>
      %select_n3A_308 = arith.select %gt3A_307, %min3A_303, %select_n3A_272 : vector<16x512xi1>, vector<16x512xf32>
      %add3A_309 = arith.constant 3072 : i32
      %add3A_310 = vector.broadcast %add3A_309 : i32 to vector<16x512xi32>
      %add3A_311 = arith.addi %iota3A, %add3A_310 : vector<16x512xi32>
      %select_n3A_312 = arith.select %gt3A_307, %add3A_311, %select_n3A_276 : vector<16x512xi1>, vector<16x512xi32>
      %select_n3A_313 = arith.select %gt3A_307, %get3A_282, %select_n3A_277 : vector<16x512xi1>, vector<16x512xf32>
      %select_n3A_314 = arith.select %gt3A_307, %get3A_285, %select_n3A_278 : vector<16x512xi1>, vector<16x512xf32>
      %select_n3A_315 = arith.select %gt3A_307, %get3A_288, %select_n3A_279 : vector<16x512xi1>, vector<16x512xf32>
      %get3A_316 = arith.constant 0 : index
      %get3A_317 = arith.constant 3584 : index
      %get3A_318 = vector.load %arg0[%get3A_316, %get3A_317] : memref<16x8192xf32, #tpu.memory_space<vmem>>, vector<16x512xf32>
      %get3A_319 = arith.constant 0 : index
      %get3A_320 = arith.constant 3584 : index
      %get3A_321 = vector.load %arg1[%get3A_319, %get3A_320] : memref<16x8192xf32, #tpu.memory_space<vmem>>, vector<16x512xf32>
      %get3A_322 = arith.constant 0 : index
      %get3A_323 = arith.constant 3584 : index
      %get3A_324 = vector.load %arg2[%get3A_322, %get3A_323] : memref<16x8192xf32, #tpu.memory_space<vmem>>, vector<16x512xf32>
      %sub3A_325 = vector.broadcast %scan3A_38 : vector<16x1xf32> to vector<16x512xf32>
      %sub3A_326 = arith.subf %get3A_318, %sub3A_325 : vector<16x512xf32>
      %sub3A_327 = vector.broadcast %scan3A_39 : vector<16x1xf32> to vector<16x512xf32>
      %sub3A_328 = arith.subf %get3A_321, %sub3A_327 : vector<16x512xf32>
      %sub3A_329 = vector.broadcast %scan3A_40 : vector<16x1xf32> to vector<16x512xf32>
      %sub3A_330 = arith.subf %get3A_324, %sub3A_329 : vector<16x512xf32>
      %mul3A_331 = arith.mulf %sub3A_326, %sub3A_326 : vector<16x512xf32>
      %mul3A_332 = arith.mulf %sub3A_328, %sub3A_328 : vector<16x512xf32>
      %add3A_333 = arith.addf %mul3A_331, %mul3A_332 : vector<16x512xf32>
      %mul3A_334 = arith.mulf %sub3A_330, %sub3A_330 : vector<16x512xf32>
      %add3A_335 = arith.addf %add3A_333, %mul3A_334 : vector<16x512xf32>
      %get3A_336 = arith.constant 0 : index
      %get3A_337 = arith.constant 3584 : index
      %get3A_338 = vector.load %arg7[%get3A_336, %get3A_337] : memref<16x8192xf32, #tpu.memory_space<vmem>>, vector<16x512xf32>
      %min3A_339 = arith.minimumf %get3A_338, %add3A_335 : vector<16x512xf32>
      %swap3A_340 = arith.constant 0 : index
      %swap3A_341 = arith.constant 3584 : index
      %swap3A_342 = vector.load %arg7[%swap3A_340, %swap3A_341] : memref<16x8192xf32, #tpu.memory_space<vmem>>, vector<16x512xf32>
      tpu.vector_store %arg7[%swap3A_340, %swap3A_341], %min3A_339 {strides = array<i32>} : memref<16x8192xf32, #tpu.memory_space<vmem>>, vector<16x512xf32>,
      %gt3A_343 = arith.cmpf ogt, %min3A_339, %select_n3A_308 : vector<16x512xf32>
      %select_n3A_344 = arith.select %gt3A_343, %min3A_339, %select_n3A_308 : vector<16x512xi1>, vector<16x512xf32>
      %add3A_345 = arith.constant 3584 : i32
      %add3A_346 = vector.broadcast %add3A_345 : i32 to vector<16x512xi32>
      %add3A_347 = arith.addi %iota3A, %add3A_346 : vector<16x512xi32>
      %select_n3A_348 = arith.select %gt3A_343, %add3A_347, %select_n3A_312 : vector<16x512xi1>, vector<16x512xi32>
      %select_n3A_349 = arith.select %gt3A_343, %get3A_318, %select_n3A_313 : vector<16x512xi1>, vector<16x512xf32>
      %select_n3A_350 = arith.select %gt3A_343, %get3A_321, %select_n3A_314 : vector<16x512xi1>, vector<16x512xf32>
      %select_n3A_351 = arith.select %gt3A_343, %get3A_324, %select_n3A_315 : vector<16x512xi1>, vector<16x512xf32>
      %get3A_352 = arith.constant 0 : index
      %get3A_353 = arith.constant 4096 : index
      %get3A_354 = vector.load %arg0[%get3A_352, %get3A_353] : memref<16x8192xf32, #tpu.memory_space<vmem>>, vector<16x512xf32>
      %get3A_355 = arith.constant 0 : index
      %get3A_356 = arith.constant 4096 : index
      %get3A_357 = vector.load %arg1[%get3A_355, %get3A_356] : memref<16x8192xf32, #tpu.memory_space<vmem>>, vector<16x512xf32>
      %get3A_358 = arith.constant 0 : index
      %get3A_359 = arith.constant 4096 : index
      %get3A_360 = vector.load %arg2[%get3A_358, %get3A_359] : memref<16x8192xf32, #tpu.memory_space<vmem>>, vector<16x512xf32>
      %sub3A_361 = vector.broadcast %scan3A_38 : vector<16x1xf32> to vector<16x512xf32>
      %sub3A_362 = arith.subf %get3A_354, %sub3A_361 : vector<16x512xf32>
      %sub3A_363 = vector.broadcast %scan3A_39 : vector<16x1xf32> to vector<16x512xf32>
      %sub3A_364 = arith.subf %get3A_357, %sub3A_363 : vector<16x512xf32>
      %sub3A_365 = vector.broadcast %scan3A_40 : vector<16x1xf32> to vector<16x512xf32>
      %sub3A_366 = arith.subf %get3A_360, %sub3A_365 : vector<16x512xf32>
      %mul3A_367 = arith.mulf %sub3A_362, %sub3A_362 : vector<16x512xf32>
      %mul3A_368 = arith.mulf %sub3A_364, %sub3A_364 : vector<16x512xf32>
      %add3A_369 = arith.addf %mul3A_367, %mul3A_368 : vector<16x512xf32>
      %mul3A_370 = arith.mulf %sub3A_366, %sub3A_366 : vector<16x512xf32>
      %add3A_371 = arith.addf %add3A_369, %mul3A_370 : vector<16x512xf32>
      %get3A_372 = arith.constant 0 : index
      %get3A_373 = arith.constant 4096 : index
      %get3A_374 = vector.load %arg7[%get3A_372, %get3A_373] : memref<16x8192xf32, #tpu.memory_space<vmem>>, vector<16x512xf32>
      %min3A_375 = arith.minimumf %get3A_374, %add3A_371 : vector<16x512xf32>
      %swap3A_376 = arith.constant 0 : index
      %swap3A_377 = arith.constant 4096 : index
      %swap3A_378 = vector.load %arg7[%swap3A_376, %swap3A_377] : memref<16x8192xf32, #tpu.memory_space<vmem>>, vector<16x512xf32>
      tpu.vector_store %arg7[%swap3A_376, %swap3A_377], %min3A_375 {strides = array<i32>} : memref<16x8192xf32, #tpu.memory_space<vmem>>, vector<16x512xf32>,
      %gt3A_379 = arith.cmpf ogt, %min3A_375, %select_n3A_344 : vector<16x512xf32>
      %select_n3A_380 = arith.select %gt3A_379, %min3A_375, %select_n3A_344 : vector<16x512xi1>, vector<16x512xf32>
      %add3A_381 = arith.constant 4096 : i32
      %add3A_382 = vector.broadcast %add3A_381 : i32 to vector<16x512xi32>
      %add3A_383 = arith.addi %iota3A, %add3A_382 : vector<16x512xi32>
      %select_n3A_384 = arith.select %gt3A_379, %add3A_383, %select_n3A_348 : vector<16x512xi1>, vector<16x512xi32>
      %select_n3A_385 = arith.select %gt3A_379, %get3A_354, %select_n3A_349 : vector<16x512xi1>, vector<16x512xf32>
      %select_n3A_386 = arith.select %gt3A_379, %get3A_357, %select_n3A_350 : vector<16x512xi1>, vector<16x512xf32>
      %select_n3A_387 = arith.select %gt3A_379, %get3A_360, %select_n3A_351 : vector<16x512xi1>, vector<16x512xf32>
      %get3A_388 = arith.constant 0 : index
      %get3A_389 = arith.constant 4608 : index
      %get3A_390 = vector.load %arg0[%get3A_388, %get3A_389] : memref<16x8192xf32, #tpu.memory_space<vmem>>, vector<16x512xf32>
      %get3A_391 = arith.constant 0 : index
      %get3A_392 = arith.constant 4608 : index
      %get3A_393 = vector.load %arg1[%get3A_391, %get3A_392] : memref<16x8192xf32, #tpu.memory_space<vmem>>, vector<16x512xf32>
      %get3A_394 = arith.constant 0 : index
      %get3A_395 = arith.constant 4608 : index
      %get3A_396 = vector.load %arg2[%get3A_394, %get3A_395] : memref<16x8192xf32, #tpu.memory_space<vmem>>, vector<16x512xf32>
      %sub3A_397 = vector.broadcast %scan3A_38 : vector<16x1xf32> to vector<16x512xf32>
      %sub3A_398 = arith.subf %get3A_390, %sub3A_397 : vector<16x512xf32>
      %sub3A_399 = vector.broadcast %scan3A_39 : vector<16x1xf32> to vector<16x512xf32>
      %sub3A_400 = arith.subf %get3A_393, %sub3A_399 : vector<16x512xf32>
      %sub3A_401 = vector.broadcast %scan3A_40 : vector<16x1xf32> to vector<16x512xf32>
      %sub3A_402 = arith.subf %get3A_396, %sub3A_401 : vector<16x512xf32>
      %mul3A_403 = arith.mulf %sub3A_398, %sub3A_398 : vector<16x512xf32>
      %mul3A_404 = arith.mulf %sub3A_400, %sub3A_400 : vector<16x512xf32>
      %add3A_405 = arith.addf %mul3A_403, %mul3A_404 : vector<16x512xf32>
      %mul3A_406 = arith.mulf %sub3A_402, %sub3A_402 : vector<16x512xf32>
      %add3A_407 = arith.addf %add3A_405, %mul3A_406 : vector<16x512xf32>
      %get3A_408 = arith.constant 0 : index
      %get3A_409 = arith.constant 4608 : index
      %get3A_410 = vector.load %arg7[%get3A_408, %get3A_409] : memref<16x8192xf32, #tpu.memory_space<vmem>>, vector<16x512xf32>
      %min3A_411 = arith.minimumf %get3A_410, %add3A_407 : vector<16x512xf32>
      %swap3A_412 = arith.constant 0 : index
      %swap3A_413 = arith.constant 4608 : index
      %swap3A_414 = vector.load %arg7[%swap3A_412, %swap3A_413] : memref<16x8192xf32, #tpu.memory_space<vmem>>, vector<16x512xf32>
      tpu.vector_store %arg7[%swap3A_412, %swap3A_413], %min3A_411 {strides = array<i32>} : memref<16x8192xf32, #tpu.memory_space<vmem>>, vector<16x512xf32>,
      %gt3A_415 = arith.cmpf ogt, %min3A_411, %select_n3A_380 : vector<16x512xf32>
      %select_n3A_416 = arith.select %gt3A_415, %min3A_411, %select_n3A_380 : vector<16x512xi1>, vector<16x512xf32>
      %add3A_417 = arith.constant 4608 : i32
      %add3A_418 = vector.broadcast %add3A_417 : i32 to vector<16x512xi32>
      %add3A_419 = arith.addi %iota3A, %add3A_418 : vector<16x512xi32>
      %select_n3A_420 = arith.select %gt3A_415, %add3A_419, %select_n3A_384 : vector<16x512xi1>, vector<16x512xi32>
      %select_n3A_421 = arith.select %gt3A_415, %get3A_390, %select_n3A_385 : vector<16x512xi1>, vector<16x512xf32>
      %select_n3A_422 = arith.select %gt3A_415, %get3A_393, %select_n3A_386 : vector<16x512xi1>, vector<16x512xf32>
      %select_n3A_423 = arith.select %gt3A_415, %get3A_396, %select_n3A_387 : vector<16x512xi1>, vector<16x512xf32>
      %get3A_424 = arith.constant 0 : index
      %get3A_425 = arith.constant 5120 : index
      %get3A_426 = vector.load %arg0[%get3A_424, %get3A_425] : memref<16x8192xf32, #tpu.memory_space<vmem>>, vector<16x512xf32>
      %get3A_427 = arith.constant 0 : index
      %get3A_428 = arith.constant 5120 : index
      %get3A_429 = vector.load %arg1[%get3A_427, %get3A_428] : memref<16x8192xf32, #tpu.memory_space<vmem>>, vector<16x512xf32>
      %get3A_430 = arith.constant 0 : index
      %get3A_431 = arith.constant 5120 : index
      %get3A_432 = vector.load %arg2[%get3A_430, %get3A_431] : memref<16x8192xf32, #tpu.memory_space<vmem>>, vector<16x512xf32>
      %sub3A_433 = vector.broadcast %scan3A_38 : vector<16x1xf32> to vector<16x512xf32>
      %sub3A_434 = arith.subf %get3A_426, %sub3A_433 : vector<16x512xf32>
      %sub3A_435 = vector.broadcast %scan3A_39 : vector<16x1xf32> to vector<16x512xf32>
      %sub3A_436 = arith.subf %get3A_429, %sub3A_435 : vector<16x512xf32>
      %sub3A_437 = vector.broadcast %scan3A_40 : vector<16x1xf32> to vector<16x512xf32>
      %sub3A_438 = arith.subf %get3A_432, %sub3A_437 : vector<16x512xf32>
      %mul3A_439 = arith.mulf %sub3A_434, %sub3A_434 : vector<16x512xf32>
      %mul3A_440 = arith.mulf %sub3A_436, %sub3A_436 : vector<16x512xf32>
      %add3A_441 = arith.addf %mul3A_439, %mul3A_440 : vector<16x512xf32>
      %mul3A_442 = arith.mulf %sub3A_438, %sub3A_438 : vector<16x512xf32>
      %add3A_443 = arith.addf %add3A_441, %mul3A_442 : vector<16x512xf32>
      %get3A_444 = arith.constant 0 : index
      %get3A_445 = arith.constant 5120 : index
      %get3A_446 = vector.load %arg7[%get3A_444, %get3A_445] : memref<16x8192xf32, #tpu.memory_space<vmem>>, vector<16x512xf32>
      %min3A_447 = arith.minimumf %get3A_446, %add3A_443 : vector<16x512xf32>
      %swap3A_448 = arith.constant 0 : index
      %swap3A_449 = arith.constant 5120 : index
      %swap3A_450 = vector.load %arg7[%swap3A_448, %swap3A_449] : memref<16x8192xf32, #tpu.memory_space<vmem>>, vector<16x512xf32>
      tpu.vector_store %arg7[%swap3A_448, %swap3A_449], %min3A_447 {strides = array<i32>} : memref<16x8192xf32, #tpu.memory_space<vmem>>, vector<16x512xf32>,
      %gt3A_451 = arith.cmpf ogt, %min3A_447, %select_n3A_416 : vector<16x512xf32>
      %select_n3A_452 = arith.select %gt3A_451, %min3A_447, %select_n3A_416 : vector<16x512xi1>, vector<16x512xf32>
      %add3A_453 = arith.constant 5120 : i32
      %add3A_454 = vector.broadcast %add3A_453 : i32 to vector<16x512xi32>
      %add3A_455 = arith.addi %iota3A, %add3A_454 : vector<16x512xi32>
      %select_n3A_456 = arith.select %gt3A_451, %add3A_455, %select_n3A_420 : vector<16x512xi1>, vector<16x512xi32>
      %select_n3A_457 = arith.select %gt3A_451, %get3A_426, %select_n3A_421 : vector<16x512xi1>, vector<16x512xf32>
      %select_n3A_458 = arith.select %gt3A_451, %get3A_429, %select_n3A_422 : vector<16x512xi1>, vector<16x512xf32>
      %select_n3A_459 = arith.select %gt3A_451, %get3A_432, %select_n3A_423 : vector<16x512xi1>, vector<16x512xf32>
      %get3A_460 = arith.constant 0 : index
      %get3A_461 = arith.constant 5632 : index
      %get3A_462 = vector.load %arg0[%get3A_460, %get3A_461] : memref<16x8192xf32, #tpu.memory_space<vmem>>, vector<16x512xf32>
      %get3A_463 = arith.constant 0 : index
      %get3A_464 = arith.constant 5632 : index
      %get3A_465 = vector.load %arg1[%get3A_463, %get3A_464] : memref<16x8192xf32, #tpu.memory_space<vmem>>, vector<16x512xf32>
      %get3A_466 = arith.constant 0 : index
      %get3A_467 = arith.constant 5632 : index
      %get3A_468 = vector.load %arg2[%get3A_466, %get3A_467] : memref<16x8192xf32, #tpu.memory_space<vmem>>, vector<16x512xf32>
      %sub3A_469 = vector.broadcast %scan3A_38 : vector<16x1xf32> to vector<16x512xf32>
      %sub3A_470 = arith.subf %get3A_462, %sub3A_469 : vector<16x512xf32>
      %sub3A_471 = vector.broadcast %scan3A_39 : vector<16x1xf32> to vector<16x512xf32>
      %sub3A_472 = arith.subf %get3A_465, %sub3A_471 : vector<16x512xf32>
      %sub3A_473 = vector.broadcast %scan3A_40 : vector<16x1xf32> to vector<16x512xf32>
      %sub3A_474 = arith.subf %get3A_468, %sub3A_473 : vector<16x512xf32>
      %mul3A_475 = arith.mulf %sub3A_470, %sub3A_470 : vector<16x512xf32>
      %mul3A_476 = arith.mulf %sub3A_472, %sub3A_472 : vector<16x512xf32>
      %add3A_477 = arith.addf %mul3A_475, %mul3A_476 : vector<16x512xf32>
      %mul3A_478 = arith.mulf %sub3A_474, %sub3A_474 : vector<16x512xf32>
      %add3A_479 = arith.addf %add3A_477, %mul3A_478 : vector<16x512xf32>
      %get3A_480 = arith.constant 0 : index
      %get3A_481 = arith.constant 5632 : index
      %get3A_482 = vector.load %arg7[%get3A_480, %get3A_481] : memref<16x8192xf32, #tpu.memory_space<vmem>>, vector<16x512xf32>
      %min3A_483 = arith.minimumf %get3A_482, %add3A_479 : vector<16x512xf32>
      %swap3A_484 = arith.constant 0 : index
      %swap3A_485 = arith.constant 5632 : index
      %swap3A_486 = vector.load %arg7[%swap3A_484, %swap3A_485] : memref<16x8192xf32, #tpu.memory_space<vmem>>, vector<16x512xf32>
      tpu.vector_store %arg7[%swap3A_484, %swap3A_485], %min3A_483 {strides = array<i32>} : memref<16x8192xf32, #tpu.memory_space<vmem>>, vector<16x512xf32>,
      %gt3A_487 = arith.cmpf ogt, %min3A_483, %select_n3A_452 : vector<16x512xf32>
      %select_n3A_488 = arith.select %gt3A_487, %min3A_483, %select_n3A_452 : vector<16x512xi1>, vector<16x512xf32>
      %add3A_489 = arith.constant 5632 : i32
      %add3A_490 = vector.broadcast %add3A_489 : i32 to vector<16x512xi32>
      %add3A_491 = arith.addi %iota3A, %add3A_490 : vector<16x512xi32>
      %select_n3A_492 = arith.select %gt3A_487, %add3A_491, %select_n3A_456 : vector<16x512xi1>, vector<16x512xi32>
      %select_n3A_493 = arith.select %gt3A_487, %get3A_462, %select_n3A_457 : vector<16x512xi1>, vector<16x512xf32>
      %select_n3A_494 = arith.select %gt3A_487, %get3A_465, %select_n3A_458 : vector<16x512xi1>, vector<16x512xf32>
      %select_n3A_495 = arith.select %gt3A_487, %get3A_468, %select_n3A_459 : vector<16x512xi1>, vector<16x512xf32>
      %get3A_496 = arith.constant 0 : index
      %get3A_497 = arith.constant 6144 : index
      %get3A_498 = vector.load %arg0[%get3A_496, %get3A_497] : memref<16x8192xf32, #tpu.memory_space<vmem>>, vector<16x512xf32>
      %get3A_499 = arith.constant 0 : index
      %get3A_500 = arith.constant 6144 : index
      %get3A_501 = vector.load %arg1[%get3A_499, %get3A_500] : memref<16x8192xf32, #tpu.memory_space<vmem>>, vector<16x512xf32>
      %get3A_502 = arith.constant 0 : index
      %get3A_503 = arith.constant 6144 : index
      %get3A_504 = vector.load %arg2[%get3A_502, %get3A_503] : memref<16x8192xf32, #tpu.memory_space<vmem>>, vector<16x512xf32>
      %sub3A_505 = vector.broadcast %scan3A_38 : vector<16x1xf32> to vector<16x512xf32>
      %sub3A_506 = arith.subf %get3A_498, %sub3A_505 : vector<16x512xf32>
      %sub3A_507 = vector.broadcast %scan3A_39 : vector<16x1xf32> to vector<16x512xf32>
      %sub3A_508 = arith.subf %get3A_501, %sub3A_507 : vector<16x512xf32>
      %sub3A_509 = vector.broadcast %scan3A_40 : vector<16x1xf32> to vector<16x512xf32>
      %sub3A_510 = arith.subf %get3A_504, %sub3A_509 : vector<16x512xf32>
      %mul3A_511 = arith.mulf %sub3A_506, %sub3A_506 : vector<16x512xf32>
      %mul3A_512 = arith.mulf %sub3A_508, %sub3A_508 : vector<16x512xf32>
      %add3A_513 = arith.addf %mul3A_511, %mul3A_512 : vector<16x512xf32>
      %mul3A_514 = arith.mulf %sub3A_510, %sub3A_510 : vector<16x512xf32>
      %add3A_515 = arith.addf %add3A_513, %mul3A_514 : vector<16x512xf32>
      %get3A_516 = arith.constant 0 : index
      %get3A_517 = arith.constant 6144 : index
      %get3A_518 = vector.load %arg7[%get3A_516, %get3A_517] : memref<16x8192xf32, #tpu.memory_space<vmem>>, vector<16x512xf32>
      %min3A_519 = arith.minimumf %get3A_518, %add3A_515 : vector<16x512xf32>
      %swap3A_520 = arith.constant 0 : index
      %swap3A_521 = arith.constant 6144 : index
      %swap3A_522 = vector.load %arg7[%swap3A_520, %swap3A_521] : memref<16x8192xf32, #tpu.memory_space<vmem>>, vector<16x512xf32>
      tpu.vector_store %arg7[%swap3A_520, %swap3A_521], %min3A_519 {strides = array<i32>} : memref<16x8192xf32, #tpu.memory_space<vmem>>, vector<16x512xf32>,
      %gt3A_523 = arith.cmpf ogt, %min3A_519, %select_n3A_488 : vector<16x512xf32>
      %select_n3A_524 = arith.select %gt3A_523, %min3A_519, %select_n3A_488 : vector<16x512xi1>, vector<16x512xf32>
      %add3A_525 = arith.constant 6144 : i32
      %add3A_526 = vector.broadcast %add3A_525 : i32 to vector<16x512xi32>
      %add3A_527 = arith.addi %iota3A, %add3A_526 : vector<16x512xi32>
      %select_n3A_528 = arith.select %gt3A_523, %add3A_527, %select_n3A_492 : vector<16x512xi1>, vector<16x512xi32>
      %select_n3A_529 = arith.select %gt3A_523, %get3A_498, %select_n3A_493 : vector<16x512xi1>, vector<16x512xf32>
      %select_n3A_530 = arith.select %gt3A_523, %get3A_501, %select_n3A_494 : vector<16x512xi1>, vector<16x512xf32>
      %select_n3A_531 = arith.select %gt3A_523, %get3A_504, %select_n3A_495 : vector<16x512xi1>, vector<16x512xf32>
      %get3A_532 = arith.constant 0 : index
      %get3A_533 = arith.constant 6656 : index
      %get3A_534 = vector.load %arg0[%get3A_532, %get3A_533] : memref<16x8192xf32, #tpu.memory_space<vmem>>, vector<16x512xf32>
      %get3A_535 = arith.constant 0 : index
      %get3A_536 = arith.constant 6656 : index
      %get3A_537 = vector.load %arg1[%get3A_535, %get3A_536] : memref<16x8192xf32, #tpu.memory_space<vmem>>, vector<16x512xf32>
      %get3A_538 = arith.constant 0 : index
      %get3A_539 = arith.constant 6656 : index
      %get3A_540 = vector.load %arg2[%get3A_538, %get3A_539] : memref<16x8192xf32, #tpu.memory_space<vmem>>, vector<16x512xf32>
      %sub3A_541 = vector.broadcast %scan3A_38 : vector<16x1xf32> to vector<16x512xf32>
      %sub3A_542 = arith.subf %get3A_534, %sub3A_541 : vector<16x512xf32>
      %sub3A_543 = vector.broadcast %scan3A_39 : vector<16x1xf32> to vector<16x512xf32>
      %sub3A_544 = arith.subf %get3A_537, %sub3A_543 : vector<16x512xf32>
      %sub3A_545 = vector.broadcast %scan3A_40 : vector<16x1xf32> to vector<16x512xf32>
      %sub3A_546 = arith.subf %get3A_540, %sub3A_545 : vector<16x512xf32>
      %mul3A_547 = arith.mulf %sub3A_542, %sub3A_542 : vector<16x512xf32>
      %mul3A_548 = arith.mulf %sub3A_544, %sub3A_544 : vector<16x512xf32>
      %add3A_549 = arith.addf %mul3A_547, %mul3A_548 : vector<16x512xf32>
      %mul3A_550 = arith.mulf %sub3A_546, %sub3A_546 : vector<16x512xf32>
      %add3A_551 = arith.addf %add3A_549, %mul3A_550 : vector<16x512xf32>
      %get3A_552 = arith.constant 0 : index
      %get3A_553 = arith.constant 6656 : index
      %get3A_554 = vector.load %arg7[%get3A_552, %get3A_553] : memref<16x8192xf32, #tpu.memory_space<vmem>>, vector<16x512xf32>
      %min3A_555 = arith.minimumf %get3A_554, %add3A_551 : vector<16x512xf32>
      %swap3A_556 = arith.constant 0 : index
      %swap3A_557 = arith.constant 6656 : index
      %swap3A_558 = vector.load %arg7[%swap3A_556, %swap3A_557] : memref<16x8192xf32, #tpu.memory_space<vmem>>, vector<16x512xf32>
      tpu.vector_store %arg7[%swap3A_556, %swap3A_557], %min3A_555 {strides = array<i32>} : memref<16x8192xf32, #tpu.memory_space<vmem>>, vector<16x512xf32>,
      %gt3A_559 = arith.cmpf ogt, %min3A_555, %select_n3A_524 : vector<16x512xf32>
      %select_n3A_560 = arith.select %gt3A_559, %min3A_555, %select_n3A_524 : vector<16x512xi1>, vector<16x512xf32>
      %add3A_561 = arith.constant 6656 : i32
      %add3A_562 = vector.broadcast %add3A_561 : i32 to vector<16x512xi32>
      %add3A_563 = arith.addi %iota3A, %add3A_562 : vector<16x512xi32>
      %select_n3A_564 = arith.select %gt3A_559, %add3A_563, %select_n3A_528 : vector<16x512xi1>, vector<16x512xi32>
      %select_n3A_565 = arith.select %gt3A_559, %get3A_534, %select_n3A_529 : vector<16x512xi1>, vector<16x512xf32>
      %select_n3A_566 = arith.select %gt3A_559, %get3A_537, %select_n3A_530 : vector<16x512xi1>, vector<16x512xf32>
      %select_n3A_567 = arith.select %gt3A_559, %get3A_540, %select_n3A_531 : vector<16x512xi1>, vector<16x512xf32>
      %get3A_568 = arith.constant 0 : index
      %get3A_569 = arith.constant 7168 : index
      %get3A_570 = vector.load %arg0[%get3A_568, %get3A_569] : memref<16x8192xf32, #tpu.memory_space<vmem>>, vector<16x512xf32>
      %get3A_571 = arith.constant 0 : index
      %get3A_572 = arith.constant 7168 : index
      %get3A_573 = vector.load %arg1[%get3A_571, %get3A_572] : memref<16x8192xf32, #tpu.memory_space<vmem>>, vector<16x512xf32>
      %get3A_574 = arith.constant 0 : index
      %get3A_575 = arith.constant 7168 : index
      %get3A_576 = vector.load %arg2[%get3A_574, %get3A_575] : memref<16x8192xf32, #tpu.memory_space<vmem>>, vector<16x512xf32>
      %sub3A_577 = vector.broadcast %scan3A_38 : vector<16x1xf32> to vector<16x512xf32>
      %sub3A_578 = arith.subf %get3A_570, %sub3A_577 : vector<16x512xf32>
      %sub3A_579 = vector.broadcast %scan3A_39 : vector<16x1xf32> to vector<16x512xf32>
      %sub3A_580 = arith.subf %get3A_573, %sub3A_579 : vector<16x512xf32>
      %sub3A_581 = vector.broadcast %scan3A_40 : vector<16x1xf32> to vector<16x512xf32>
      %sub3A_582 = arith.subf %get3A_576, %sub3A_581 : vector<16x512xf32>
      %mul3A_583 = arith.mulf %sub3A_578, %sub3A_578 : vector<16x512xf32>
      %mul3A_584 = arith.mulf %sub3A_580, %sub3A_580 : vector<16x512xf32>
      %add3A_585 = arith.addf %mul3A_583, %mul3A_584 : vector<16x512xf32>
      %mul3A_586 = arith.mulf %sub3A_582, %sub3A_582 : vector<16x512xf32>
      %add3A_587 = arith.addf %add3A_585, %mul3A_586 : vector<16x512xf32>
      %get3A_588 = arith.constant 0 : index
      %get3A_589 = arith.constant 7168 : index
      %get3A_590 = vector.load %arg7[%get3A_588, %get3A_589] : memref<16x8192xf32, #tpu.memory_space<vmem>>, vector<16x512xf32>
      %min3A_591 = arith.minimumf %get3A_590, %add3A_587 : vector<16x512xf32>
      %swap3A_592 = arith.constant 0 : index
      %swap3A_593 = arith.constant 7168 : index
      %swap3A_594 = vector.load %arg7[%swap3A_592, %swap3A_593] : memref<16x8192xf32, #tpu.memory_space<vmem>>, vector<16x512xf32>
      tpu.vector_store %arg7[%swap3A_592, %swap3A_593], %min3A_591 {strides = array<i32>} : memref<16x8192xf32, #tpu.memory_space<vmem>>, vector<16x512xf32>,
      %gt3A_595 = arith.cmpf ogt, %min3A_591, %select_n3A_560 : vector<16x512xf32>
      %select_n3A_596 = arith.select %gt3A_595, %min3A_591, %select_n3A_560 : vector<16x512xi1>, vector<16x512xf32>
      %add3A_597 = arith.constant 7168 : i32
      %add3A_598 = vector.broadcast %add3A_597 : i32 to vector<16x512xi32>
      %add3A_599 = arith.addi %iota3A, %add3A_598 : vector<16x512xi32>
      %select_n3A_600 = arith.select %gt3A_595, %add3A_599, %select_n3A_564 : vector<16x512xi1>, vector<16x512xi32>
      %select_n3A_601 = arith.select %gt3A_595, %get3A_570, %select_n3A_565 : vector<16x512xi1>, vector<16x512xf32>
      %select_n3A_602 = arith.select %gt3A_595, %get3A_573, %select_n3A_566 : vector<16x512xi1>, vector<16x512xf32>
      %select_n3A_603 = arith.select %gt3A_595, %get3A_576, %select_n3A_567 : vector<16x512xi1>, vector<16x512xf32>
      %get3A_604 = arith.constant 0 : index
      %get3A_605 = arith.constant 7680 : index
      %get3A_606 = vector.load %arg0[%get3A_604, %get3A_605] : memref<16x8192xf32, #tpu.memory_space<vmem>>, vector<16x512xf32>
      %get3A_607 = arith.constant 0 : index
      %get3A_608 = arith.constant 7680 : index
      %get3A_609 = vector.load %arg1[%get3A_607, %get3A_608] : memref<16x8192xf32, #tpu.memory_space<vmem>>, vector<16x512xf32>
      %get3A_610 = arith.constant 0 : index
      %get3A_611 = arith.constant 7680 : index
      %get3A_612 = vector.load %arg2[%get3A_610, %get3A_611] : memref<16x8192xf32, #tpu.memory_space<vmem>>, vector<16x512xf32>
      %sub3A_613 = vector.broadcast %scan3A_38 : vector<16x1xf32> to vector<16x512xf32>
      %sub3A_614 = arith.subf %get3A_606, %sub3A_613 : vector<16x512xf32>
      %sub3A_615 = vector.broadcast %scan3A_39 : vector<16x1xf32> to vector<16x512xf32>
      %sub3A_616 = arith.subf %get3A_609, %sub3A_615 : vector<16x512xf32>
      %sub3A_617 = vector.broadcast %scan3A_40 : vector<16x1xf32> to vector<16x512xf32>
      %sub3A_618 = arith.subf %get3A_612, %sub3A_617 : vector<16x512xf32>
      %mul3A_619 = arith.mulf %sub3A_614, %sub3A_614 : vector<16x512xf32>
      %mul3A_620 = arith.mulf %sub3A_616, %sub3A_616 : vector<16x512xf32>
      %add3A_621 = arith.addf %mul3A_619, %mul3A_620 : vector<16x512xf32>
      %mul3A_622 = arith.mulf %sub3A_618, %sub3A_618 : vector<16x512xf32>
      %add3A_623 = arith.addf %add3A_621, %mul3A_622 : vector<16x512xf32>
      %get3A_624 = arith.constant 0 : index
      %get3A_625 = arith.constant 7680 : index
      %get3A_626 = vector.load %arg7[%get3A_624, %get3A_625] : memref<16x8192xf32, #tpu.memory_space<vmem>>, vector<16x512xf32>
      %min3A_627 = arith.minimumf %get3A_626, %add3A_623 : vector<16x512xf32>
      %swap3A_628 = arith.constant 0 : index
      %swap3A_629 = arith.constant 7680 : index
      %swap3A_630 = vector.load %arg7[%swap3A_628, %swap3A_629] : memref<16x8192xf32, #tpu.memory_space<vmem>>, vector<16x512xf32>
      tpu.vector_store %arg7[%swap3A_628, %swap3A_629], %min3A_627 {strides = array<i32>} : memref<16x8192xf32, #tpu.memory_space<vmem>>, vector<16x512xf32>,
      %gt3A_631 = arith.cmpf ogt, %min3A_627, %select_n3A_596 : vector<16x512xf32>
      %select_n3A_632 = arith.select %gt3A_631, %min3A_627, %select_n3A_596 : vector<16x512xi1>, vector<16x512xf32>
      %add3A_633 = arith.constant 7680 : i32
      %add3A_634 = vector.broadcast %add3A_633 : i32 to vector<16x512xi32>
      %add3A_635 = arith.addi %iota3A, %add3A_634 : vector<16x512xi32>
      %select_n3A_636 = arith.select %gt3A_631, %add3A_635, %select_n3A_600 : vector<16x512xi1>, vector<16x512xi32>
      %select_n3A_637 = arith.select %gt3A_631, %get3A_606, %select_n3A_601 : vector<16x512xi1>, vector<16x512xf32>
      %select_n3A_638 = arith.select %gt3A_631, %get3A_609, %select_n3A_602 : vector<16x512xi1>, vector<16x512xf32>
      %select_n3A_639 = arith.select %gt3A_631, %get3A_612, %select_n3A_603 : vector<16x512xi1>, vector<16x512xf32>
      %reduce_max3A = arith.constant dense<0xFF800000> : vector<16xf32>
      %reduce_max3A_640 = vector.multi_reduction <maximumf>, %select_n3A_632, %reduce_max3A [1] : vector<16x512xf32> to vector<16xf32>
      %broadcast_in_dim3A_641 = vector.shape_cast %reduce_max3A_640 : vector<16xf32> to vector<16x1xf32>
      %eq3A_642 = vector.broadcast %broadcast_in_dim3A_641 : vector<16x1xf32> to vector<16x512xf32>
      %eq3A_643 = arith.cmpf oeq, %select_n3A_632, %eq3A_642 : vector<16x512xf32>
      %jit3A = arith.constant 8192 : i32
      %broadcast_in_dim3A_644 = vector.broadcast %jit3A : i32 to vector<16x512xi32>
      %select_n3A_645 = arith.select %eq3A_643, %select_n3A_636, %broadcast_in_dim3A_644 : vector<16x512xi1>, vector<16x512xi32>
      %reduce_min3A = arith.constant dense<2147483647> : vector<16xi32>
      %reduce_min3A_646 = vector.multi_reduction <minsi>, %select_n3A_645, %reduce_min3A [1] : vector<16x512xi32> to vector<16xi32>
      %broadcast_in_dim3A_647 = vector.shape_cast %reduce_min3A_646 : vector<16xi32> to vector<16x1xi32>
      %eq3A_648 = vector.broadcast %broadcast_in_dim3A_647 : vector<16x1xi32> to vector<16x512xi32>
      %eq3A_649 = arith.cmpi eq, %select_n3A_636, %eq3A_648 : vector<16x512xi32>
      %jit3A_650 = arith.constant 0.000000e+00 : f32
      %broadcast_in_dim3A_651 = vector.broadcast %jit3A_650 : f32 to vector<16x512xf32>
      %select_n3A_652 = arith.select %eq3A_649, %select_n3A_637, %broadcast_in_dim3A_651 : vector<16x512xi1>, vector<16x512xf32>
      %reduce_sum3A = arith.constant dense<0.000000e+00> : vector<16xf32>
      %reduce_sum3A_653 = vector.multi_reduction <add>, %select_n3A_652, %reduce_sum3A [1] : vector<16x512xf32> to vector<16xf32>
      %broadcast_in_dim3A_654 = vector.shape_cast %reduce_sum3A_653 : vector<16xf32> to vector<16x1xf32>
      %jit3A_655 = arith.constant 0.000000e+00 : f32
      %broadcast_in_dim3A_656 = vector.broadcast %jit3A_655 : f32 to vector<16x512xf32>
      %select_n3A_657 = arith.select %eq3A_649, %select_n3A_638, %broadcast_in_dim3A_656 : vector<16x512xi1>, vector<16x512xf32>
      %reduce_sum3A_658 = arith.constant dense<0.000000e+00> : vector<16xf32>
      %reduce_sum3A_659 = vector.multi_reduction <add>, %select_n3A_657, %reduce_sum3A_658 [1] : vector<16x512xf32> to vector<16xf32>
      %broadcast_in_dim3A_660 = vector.shape_cast %reduce_sum3A_659 : vector<16xf32> to vector<16x1xf32>
      %jit3A_661 = arith.constant 0.000000e+00 : f32
      %broadcast_in_dim3A_662 = vector.broadcast %jit3A_661 : f32 to vector<16x512xf32>
      %select_n3A_663 = arith.select %eq3A_649, %select_n3A_639, %broadcast_in_dim3A_662 : vector<16x512xi1>, vector<16x512xf32>
      %reduce_sum3A_664 = arith.constant dense<0.000000e+00> : vector<16xf32>
      %reduce_sum3A_665 = vector.multi_reduction <add>, %select_n3A_663, %reduce_sum3A_664 [1] : vector<16x512xf32> to vector<16xf32>
      %broadcast_in_dim3A_666 = vector.shape_cast %reduce_sum3A_665 : vector<16xf32> to vector<16x1xf32>
      scf.yield %broadcast_in_dim3A_647, %broadcast_in_dim3A_654, %broadcast_in_dim3A_660, %broadcast_in_dim3A_666, %select_n3A, %select_n3A_50, %select_n3A_53, %select_n3A_56 : vector<16x1xi32>, vector<16x1xf32>, vector<16x1xf32>, vector<16x1xf32>, vector<16x512xf32>, vector<16x512xf32>, vector<16x512xf32>, vector<16x512xi32>
    }
    %scan3A_19 = arith.constant 512 : i32
    %swap3A_20 = arith.constant 0 : index
    %swap3A_21 = arith.constant 0 : index
    %swap3A_22 = vector.load %arg3[%swap3A_20, %swap3A_21] : memref<16x512xf32, #tpu.memory_space<vmem>>, vector<16x512xf32>
    tpu.vector_store %arg3[%swap3A_20, %swap3A_21], %scan3A_18#4 {strides = array<i32>} : memref<16x512xf32, #tpu.memory_space<vmem>>, vector<16x512xf32>,
    %swap3A_23 = arith.constant 0 : index
    %swap3A_24 = arith.constant 0 : index
    %swap3A_25 = vector.load %arg4[%swap3A_23, %swap3A_24] : memref<16x512xf32, #tpu.memory_space<vmem>>, vector<16x512xf32>
    tpu.vector_store %arg4[%swap3A_23, %swap3A_24], %scan3A_18#5 {strides = array<i32>} : memref<16x512xf32, #tpu.memory_space<vmem>>, vector<16x512xf32>,
    %swap3A_26 = arith.constant 0 : index
    %swap3A_27 = arith.constant 0 : index
    %swap3A_28 = vector.load %arg5[%swap3A_26, %swap3A_27] : memref<16x512xf32, #tpu.memory_space<vmem>>, vector<16x512xf32>
    tpu.vector_store %arg5[%swap3A_26, %swap3A_27], %scan3A_18#6 {strides = array<i32>} : memref<16x512xf32, #tpu.memory_space<vmem>>, vector<16x512xf32>,
    %iota3A_29 = tpu.iota {dimensions = array<i32: 0>} : vector<16x512xi32>
    %mul3A = arith.constant 8192 : i32
    %mul3A_30 = vector.broadcast %mul3A : i32 to vector<16x512xi32>
    %mul3A_31 = arith.muli %iota3A_29, %mul3A_30 : vector<16x512xi32>
    %add3A_32 = arith.addi %scan3A_18#7, %mul3A_31 : vector<16x512xi32>
    %swap3A_33 = arith.constant 0 : index
    %swap3A_34 = arith.constant 0 : index
    %swap3A_35 = vector.load %arg6[%swap3A_33, %swap3A_34] : memref<16x512xi32, #tpu.memory_space<vmem>>, vector<16x512xi32>
    tpu.vector_store %arg6[%swap3A_33, %swap3A_34], %add3A_32 {strides = array<i32>} : memref<16x512xi32, #tpu.memory_space<vmem>>, vector<16x512xi32>,
    return
  }
}

</mosaic_0001>

<sc_bundles>
// kernel: kernel.4.cloned.1.call-start
scs
__scs_entry_jumppad:
0x0: {  	(pc) =	sbr.rel $0x88, $3  }
0x1: {  	(tag) =	ssettag $0x0;
	lr =	simm.s32 $0x1  }
0x2: {  	[smem:$0x3F9F] =	sst lr;
	_ =	strace $0xD0000000  }
0x3: {  	_ = 	snop  }
0x4: {  	_ = 	snop  }
0x5: {  	_ = 	snop  }
0x6: {  	_ = 	snop  }
0x7: {  	_ = 	snop  }
__scs_overlays_trampoline_lowered:
0x8: {  	[smem:$0x3FAE] =	sst s0  }
0x9: {  	[smem:$0x3FAF] =	sst s1  }
0xa: {  	[smem:$0x3FB0] =	sst s2  }
0xb: {  	[smem:$0x3FB1] =	sst s3  }
0xc: {  	[smem:$0x3FB2] =	sst s4  }
0xd: {  	[smem:$0x3FB3] =	sst s5  }
0xe: {  	[smem:$0x3FB4] =	sst s6  }
0xf: {  	[smem:$0x3FB5] =	sst s7  }
0x10: {  	[smem:$0x3FB6] =	sst s8  }
0x11: {  	[smem:$0x3FB7] =	sst s9;
	s0 =	simm.s32 @!p0 $0x0  }
0x12: {  	s1 =	sld [smem:$0x3F9D];
	s0 =	simm.s32 @p0 $0x1  }
0x13: {  	[smem:$0x3FB8] =	sst s0;
	s0 =	simm.s32 @!p1 $0x0  }
0x14: {  	s2 =	sld [smem:$0x3F9C];
	s0 =	simm.s32 @p1 $0x1  }
0x15: {  	[smem:$0x3FB9] =	sst s0;
	s0 =	simm.s32 @!p2 $0x0  }
0x16: {  	s3 =	sld [smem:$0x3FDB];
	s0 =	simm.s32 @p2 $0x1  }
0x17: {  	s4 =	simm.s32 $0x1BF5;
	[smem:$0x3FBB] =	sst s0  }
0x18: {  	s0 =	sld [smem:$0x3F9E];
	_ =	swait.ge [sflag:s4], $0x0  }
0x19: {  	s7 =	sld [smem:$0x3F9F]  }
0x1a: {  	s8 =	sadd.s32 $0xFFFFE003, lr  }
0x1b: {  	s9 =	sadd.s32 $0xFFFFFEF7, lr;
	s5 =	simm.s32 $0xFFFFFFFF;
	p2 =	slt.u32 s8, $0xFFFFF086  }
0x1c: {  	p1 =	slt.u32 s9, $0xF7A;
	s5 =	simm.s32 @!p2 $0x0  }
0x1d: {  	s5 =	simm.s32 @p1 $0x1;
	p0 =	seq.s32 s7, s2  }
0x1e: {  	s7 =	smul.u32 @!p0 $0xF7A, s2;
	p2 =	seq.s32 @!p0 s5, $0x0  }
0x1f: {  	s9 =	smul.u32 $0xF7A, s1;
	s8 =	simm.s32 @!p0 $0x1BF5;
	p2 =	por !p2, p0  }
0x20: {  	[sflag:s8] =	ssyncset.s32 @!p0 $0xFFFFF086;
	s6 =	sadd.s32 @!p0 s3, s7;
	s7 =	simm.s32 @!p0 $0x108  }
0x21: {  	s3 =	sadd.s32 s3, s9;
	s6 =	sadd.s32 @!p0 $0x88, s6;
	s7 =	simm.s32 @p2 $0x1082  }
0x22: {  	[simem:s7], [sflag:s8] =	dma.local @!p0 [hbm:s6], $0xF7A  }
0x23: {  	s9 =	sor.u32 $0xD0000000, s2;
	s6 =	simm.s32 $0x108;
	_ =	swait.ge @!p0 [sflag:s8], $0x0  }
0x24: {  	s3 =	sadd.s32 $0x88, s3;
	s6 =	simm.s32 @!p1 $0x1082;
	[sflag:s4] =	ssyncset.s32 $0xFFFFF086  }
0x25: {  	[simem:s6], [sflag:s4] =	dma.local [hbm:s3], $0xF7A  }
0x26: {  	[smem:$0x3F9F] =	sst s1;
	(tag) =	ssettag s2;
	_ =	strace s9  }
0x27: {  	s1 =	sld [smem:$0x3FAF]  }
0x28: {  	s2 =	sld [smem:$0x3FB0]  }
0x29: {  	s4 =	sld [smem:$0x3FB2]  }
0x2a: {  	p0 =	seq.s32 s5, $0x0;
	s5 =	sld [smem:$0x3FB3]  }
0x2b: {  	s6 =	sld [smem:$0x3FB4]  }
0x2c: {  	s7 =	sld [smem:$0x3FB5]  }
0x2d: {  	s3 =	simm.s32 $0x108;
	s8 =	sld [smem:$0x3FB6]  }
0x2e: {  	s3 =	simm.s32 @!p0 $0x1082;
	s9 =	sld [smem:$0x3FB7]  }
0x2f: {  	lr =	sadd.s32 s0, s3;
	s0 =	sld [smem:$0x3FAE]  }
0x30: {  	s3 =	sld [smem:$0x3FB1]  }
0x31: {  	[smem:$0x3FBA] =	sst s10  }
0x32: {  	s10 =	sld [smem:$0x3FB8];
	_ =	sdelay $0x3  }
0x33: {  	p0 =	seq.s32 s10, $0x1;
	s10 =	sld [smem:$0x3FBA];
	_ =	sdelay $0x3  }
0x34: {  	[smem:$0x3FBA] =	sst s10  }
0x35: {  	s10 =	sld [smem:$0x3FB9];
	_ =	sdelay $0x3  }
0x36: {  	p1 =	seq.s32 s10, $0x1;
	s10 =	sld [smem:$0x3FBA];
	_ =	sdelay $0x3  }
0x37: {  	[smem:$0x3FBA] =	sst s10  }
0x38: {  	s10 =	sld [smem:$0x3FBB]  }
0x39: {  	_ = 	snop;
	(pc) =	sbr.ind lr, $3  }
0x3a: {  	_ = 	snop  }
0x3b: {  	_ = 	snop  }
0x3c: {  	p2 =	seq.s32 s10, $0x1;
	s10 =	sld [smem:$0x3FBA]  }
0x3d: {  	_ =	shalt  }
0x3e: {  	_ =	shalt  }
0x3f: {  	_ =	shalt  }
0x40: {  	_ =	shalt  }
0x41: {  	_ =	shalt  }
0x42: {  	_ =	shalt  }
0x43: {  	_ =	shalt  }
0x44: {  	_ =	shalt  }
0x45: {  	_ =	shalt  }
0x46: {  	_ =	shalt  }
0x47: {  	_ =	shalt  }
0x48: {  	_ =	shalt  }
0x49: {  	_ =	shalt  }
0x4a: {  	_ =	shalt  }
0x4b: {  	_ =	shalt  }
0x4c: {  	_ =	shalt  }
0x4d: {  	_ =	shalt  }
0x4e: {  	_ =	shalt  }
0x4f: {  	_ =	shalt  }
0x50: {  	_ =	shalt  }
0x51: {  	_ =	shalt  }
0x52: {  	_ =	shalt  }
0x53: {  	_ =	shalt  }
0x54: {  	_ =	shalt  }
0x55: {  	_ =	shalt  }
0x56: {  	_ =	shalt  }
0x57: {  	_ =	shalt  }
0x58: {  	_ =	shalt  }
0x59: {  	_ =	shalt  }
0x5a: {  	_ =	shalt  }
0x5b: {  	_ =	shalt  }
0x5c: {  	_ =	shalt  }
0x5d: {  	_ =	shalt  }
0x5e: {  	_ =	shalt  }
0x5f: {  	_ =	shalt  }
0x60: {  	_ =	shalt  }
0x61: {  	_ =	shalt  }
0x62: {  	_ =	shalt  }
0x63: {  	_ =	shalt  }
0x64: {  	_ =	shalt  }
0x65: {  	_ =	shalt  }
0x66: {  	_ =	shalt  }
0x67: {  	_ =	shalt  }
0x68: {  	_ =	shalt  }
0x69: {  	_ =	shalt  }
0x6a: {  	_ =	shalt  }
0x6b: {  	_ =	shalt  }
0x6c: {  	_ =	shalt  }
0x6d: {  	_ =	shalt  }
0x6e: {  	_ =	shalt  }
0x6f: {  	_ =	shalt  }
0x70: {  	_ =	shalt  }
0x71: {  	_ =	shalt  }
0x72: {  	_ =	shalt  }
0x73: {  	_ =	shalt  }
0x74: {  	_ =	shalt  }
0x75: {  	_ =	shalt  }
0x76: {  	_ =	shalt  }
0x77: {  	_ =	shalt  }
0x78: {  	_ =	shalt  }
0x79: {  	_ =	shalt  }
0x7a: {  	_ =	shalt  }
0x7b: {  	_ =	shalt  }
0x7c: {  	_ =	shalt  }
0x7d: {  	_ =	shalt  }
0x7e: {  	_ =	shalt  }
0x7f: {  	_ =	shalt  }
0x80: {  	_ =	shalt  }
0x81: {  	_ =	shalt  }
0x82: {  	_ =	shalt  }
0x83: {  	_ =	shalt  }
0x84: {  	_ =	shalt  }
0x85: {  	_ =	shalt  }
0x86: {  	_ =	shalt  }
0x87: {  	_ =	shalt  }
.Lfunc_end0:
.L_simem_size_0:
called_computation.1_lowered:
.L_overlay_start_0:
0x88: {  	s2 =	sld [smem:$0x3FD9]  }
0x89: {  	s3 =	sld [smem:$0x3FFE];
	_ =	sdelay $0x1  }
0x8a: {  	s1 =	srdreg.scid  }
0x8b: {  	s0 =	sand.u32 $0x1, s1  }
0x8c: {  	s14 =	sshll.u32 s0, $0xA;
	s2 =	sadd.s32 s3, s2  }
0x8d: {  	s2 =	sadd.s32 s2, s14  }
0x8e: {  	[smem:$0x3FC6] =	sst s2  }
0x8f: {  	_ = 	snop  }
0x90: {  	s2 =	sld [smem:$0x3FD0];
	_ =	sdelay $0x2  }
0x91: {  	s15 =	simm.s32 $0xA;
	s4 =	simm.s32 $0x10  }
0x92: {  	[smem:s4], [sflag:s15] =	dma.local [hbm:s2], $0x1  }
0x93: {  	_ =	swait.eq [sflag:s15], $0x1  }
0x94: {  	[sflag:s15] =	ssyncset.done $0x0  }
0x95: {  	[sflag:s15] =	ssyncadd.s32 $0xFFFFFFFF  }
0x96: {  	s16 =	sld [smem:$0x11];
	(tm) =	ssettm $0x1  }
0x97: {  	s17 =	sld [smem:$0x3FFB];
	_ =	sdelay $0x3  }
0x98: {  	_ =	strace s17  }
0x99: {  	s3 =	sld [smem:$0x3FFC];
	_ =	sdelay $0x3  }
0x9a: {  	_ =	strace s3  }
0x9b: {  	s3 =	sld [smem:$0x3FFD];
	_ =	sdelay $0x3  }
0x9c: {  	_ =	strace s3  }
0x9d: {  	_ =	strace $0x8FFFFFFF  }
0x9e: {  	s18 =	sld [smem:$0x3FDB];
	_ =	sdelay $0x1  }
0x9f: {  	s19 =	simm.s32 $_scs_section_size  }
0xa0: {  	s5 =	simm.s32 $_size__tile_overlayer_lowered;
	s6 =	simm.s32 $_tile_overlayer_lowered  }
0xa1: {  	s22 =	simm.s32 $0x1BFF;
	s21 =	sshll.u32 s6, $0x1;
	s3 =	sadd.s32 s19, s18  }
0xa2: {  	s7 =	simm.s32 $0x0;
	s20 =	sshll.u32 s5, $0x1;
	s5 =	sadd.s32 s21, s3  }
0xa3: {  	[timem:s7], [sflag:s22] =	dma.local [hbm:s5], s20  }
0xa4: {  	_ =	swait.ge [sflag:s22], s20  }
0xa5: {  	s4 =	ssub.s32 $0x0, s20;
	[sflag:s22] =	ssyncset.done $0x0  }
0xa6: {  	[sflag:s22] =	ssyncadd.s32 s4;
	_ =	sdelay $0x1  }
0xa7: {  	s23 =	simm.s32 $0x1B8B  }
0xa8: {  	_ =	swait.ge [sflag:s23], $0x1  }
0xa9: {  	[sflag:s23] =	ssyncset.done $0x0  }
0xaa: {  	s25 =	simm.s32 $0x1B8E;
	s24 =	sld [smem:$0x3FFE];
	[sflag:s23] =	ssyncadd.s32 $0xFFFFFFFF  }
0xab: {  	s26 =	simm.s32 $execute0_lowered;
	[smem:$0x3FD2] =	sst s25  }
0xac: {  	s5 =	sshll.u32 s26, $0x1;
	_ =	strace $0x80000049;
	[dreg:$0x1] =	wrdreg $0xFFFFFFFF  }
0xad: {  	s28 =	simm.s32 $_size_execute0_lowered;
	s3 =	sadd.s32 s3, s5;
	[dreg:$0x0] =	wrdreg $0x0  }
0xae: {  	s5 =	sshll.u32 s28, $0x1;
	[dreg:$0x2] =	wrdreg s3  }
0xaf: {  	[dreg:$0x3] =	wrdreg s5  }
0xb0: {  	[dreg:$0x4] =	wrdreg $0xC0  }
0xb1: {  	_ =	task [dreg:s7], $0x5FFFF  }
0xb2: {  	[dreg:$0x1] =	wrdreg $0xFFFFFFFF  }
0xb3: {  	[dreg:$0x0] =	wrdreg $0x60  }
0xb4: {  	[dreg:$0x2] =	wrdreg s24  }
0xb5: {  	[dreg:$0x3] =	wrdreg s16  }
0xb6: {  	[dreg:$0x4] =	wrdreg $0x9  }
0xb7: {  	_ =	task.clear_ibuf [dreg:s7], $0x5FFFF;
	_ =	strace $0x90000049  }
0xb8: {  	s29 =	simm.s32 $0x9;
	_ =	strace $0x8000004B  }
0xb9: {  	_ =	swait.ge [sflag:s29], $0x1  }
0xba: {  	[sflag:s29] =	ssyncadd.s32 $0xFFFFFFFF  }
0xbb: {  	_ =	strace $0x9000004B  }
0xbc: {  	_ =	sfence  }
0xbd: {  	s30 =	sld [smem:$0x0];
	_ =	sdelay $0x2  }
0xbe: {  	s31 =	sshll.u32 s1, $0xD;
	s1 =	sshrl.u32 s1, $0x2  }
0xbf: {  	s3 =	sand.u32 $0x4000, s31;
	s1 =	sadd.s32 s1, s30  }
0xc0: {  	s0 =	sor.u32 s3, s0;
	s1 =	sshll.u32 s1, $0x11  }
0xc1: {  	s0 =	sor.u32 s1, s0  }
0xc2: {  	s0 =	sadd.s32 $0x8F2B, s0  }
0xc3: {  	[sflag:s0] =	ssyncadd.remote.s32 $0x1  }
0xc4: {  	_ =	sfence.sel $0xFFFF  }
0xc5: {  	[dreg:$0x0] =	wrdreg $0xFFFFFFFF;
	(pc) =	sbr.abs _section_cstart, $3  }
0xc6: {  	[dreg:$0x1] =	wrdreg $0xFFFFFFFF  }
0xc7: {  	_ =	task.clear_ibuf [dreg:s7], $0x2FFFF;
	_ =	strace $0x9FFFFFFF  }
0xc8: {  	(tm) =	ssettm $0x7FFFFFFF  }
0xc9: {  	_ =	shalt  }
tec
execute0_lowered:
.L_overlay_start_1:
0x0: {  	(tag) =	ssettag $0x1  }
0x1: {  	s10 =	rddreg [dreg:$0x0]  }
0x2: {  	s1 =	srdreg.scid;
	s0 =	stileid.u32  }
0x3: {  	s3 =	rddreg [dreg:$0x1];
	s11 =	sand.u32 $0x1, s1;
	s4 =	sshll.u32 s0, $0x1  }
0x4: {  	s2 =	simm.s32 $0x0;
	s1 =	rddreg [dreg:$0x2];
	s12 =	sor.u32 s11, s4  }
0x5: {  	[smem:$0x7FF] =	sst s2;
	s4 =	sshll.u32 s12, $0x5  }
0x6: {  	_ =	strace $0x8000004A;
	s4 =	sadd.s32 s3, s4;
	s3 =	simm.s32 $0x2  }
0x7: {  	[tilespmem:s2], [sflag:$0x2] =	stream.linear.gather [hbm4b:s4+s2], $0x100, $0x38;
	[tilespmem:$0x8100] =	vst v63  }
0x8: {  	_ =	swait.ge [sflag:s3], $0x100  }
0x9: {  	s6 =	simm.s32 $0x80;
	[sflag:s3] =	ssyncset.done $0x0  }
0xa: {  	s7 =	simm.s32 $0x100;
	s5 =	sadd.s32 $0xE00, s10;
	[sflag:s3] =	ssyncadd.s32 $0xFFFFFF00  }
0xb: {  	[tilespmem:s7], [sflag:$0x1] =	stream.indirect.gather [hbm4b:s5+s6], $0x80, s2, s6, $0xb8;
	[tilespmem:$0x8100] =	vst v63  }
0xc: {  	s8 =	simm.s32 $0x4100;
	s9 =	simm.s32 $0x1;
	s11 =	ssub.s32 $0x2, s11  }
0xd: {  	[tilespmem:s8], [sflag:$0x1] =	stream.indirect.gather [hbm4b:s5+s6], $0x80, s6, s6, $0xb8;
	[tilespmem:$0x8100] =	vst v63  }
0xe: {  	s13 =	sshrl.u32 s11, $0x1;
	_ =	swait.ge [sflag:s9], $0x4000  }
0xf: {  	s11 =	ssub.s32 s11, s13;
	[sflag:s9] =	ssyncset.done $0x0  }
0x10: {  	s11 =	smax.u32 s11, $0x1;
	[sflag:s9] =	ssyncadd.s32 $0xFFFFC000  }
0x11: {  	s12 =	sshll.u32 s12, $0xC;
	p0 =	sne.s32 s11, $0x1;
	_ =	swait.ge [sflag:s9], $0x4000  }
.Ltmp0:
0x12: {  	s10 =	sadd.s32 s12, s10;
	[sflag:s9] =	ssyncset.done $0x0;
	(pc) =	sbr.rel @!p0 .LBB2_2-.Ltmp0, $4  }
0x13: {  	s10 =	sadd.s32 $0x200E00, s10;
	[sflag:s9] =	ssyncadd.s32 $0xFFFFC000  }
0x14: {  	[hbm4b:s10+s2] =	stream.linear.scatter [tilespmem:s7], [sflag:$0x2], $0x8000, $0x38;
	[tilespmem:$0x8100] =	vst v63  }
0x15: {  	_ =	swait.ge [sflag:s3], $0x8000  }
0x16: {  	s11 =	sadd.s32 $0xFFFFFFFF, s11;
	[sflag:s3] =	ssyncset.done $0x0  }
.LBB2_1:
0x17: {  	p0 =	sne.s32 s11, $0x1;
	s11 =	sadd.s32 $0xFFFFFFFF, s11;
	[sflag:s3] =	ssyncadd.s32 $0xFFFF8000  }
0x18: {  	[tilespmem:s2], [sflag:$0x2] =	stream.linear.gather [hbm4b:s4+s2], $0x100, $0x38;
	[tilespmem:$0x8100] =	vst v63  }
0x19: {  	_ =	swait.ge [sflag:s3], $0x100  }
0x1a: {  	[sflag:s3] =	ssyncset.done $0x0  }
0x1b: {  	[sflag:s3] =	ssyncadd.s32 $0xFFFFFF00  }
0x1c: {  	[tilespmem:s7], [sflag:$0x1] =	stream.indirect.gather [hbm4b:s5+s6], $0x80, s2, s6, $0xb8;
	[tilespmem:$0x8100] =	vst v63  }
0x1d: {  	_ = 	snop  }
0x1e: {  	[tilespmem:s8], [sflag:$0x1] =	stream.indirect.gather [hbm4b:s5+s6], $0x80, s6, s6, $0xb8;
	[tilespmem:$0x8100] =	vst v63  }
0x1f: {  	_ =	swait.ge [sflag:s9], $0x4000  }
0x20: {  	[sflag:s9] =	ssyncset.done $0x0  }
0x21: {  	[sflag:s9] =	ssyncadd.s32 $0xFFFFC000  }
0x22: {  	_ =	swait.ge [sflag:s9], $0x4000  }
.Ltmp1:
0x23: {  	[sflag:s9] =	ssyncset.done $0x0;
	(pc) =	sbr.rel @p0 .LBB2_1-.Ltmp1, $4  }
0x24: {  	[sflag:s9] =	ssyncadd.s32 $0xFFFFC000  }
0x25: {  	[hbm4b:s10+s2] =	stream.linear.scatter [tilespmem:s7], [sflag:$0x2], $0x8000, $0x38;
	[tilespmem:$0x8100] =	vst v63  }
0x26: {  	_ =	swait.ge [sflag:s3], $0x8000  }
0x27: {  	[sflag:s3] =	ssyncset.done $0x0  }
.LBB2_2:
0x28: {  	[sflag:s3] =	ssyncadd.s32 $0xFFFF8000  }
0x29: {  	_ =	sfence.sel $0x180000  }
0x2a: {  	[bflag:$0x0] =	sbarrier.arrive $0xFFFF  }
0x2b: {  	p0 =	sne.s32 s0, $0x0;
	_ =	strace $0x9000004A  }
0x2c: {  	s0 =	sadd.s32 @!p0 $0x100000, s1;
	[bflag:$0x2] =	sbarrier.arrive $0xFFFF  }
0x2d: {  	[sflag:s0] =	ssyncadd.tile.s32 @!p0 $0x1;
	_ =	shalt  }
.Lfunc_end2:
_tile_overlayer_lowered:
.L_overlay_start_2:
0x2e: {  	(tag) =	ssettag $0x2  }
0x2f: {  	s0 =	rddreg [dreg:$0x0];
	s2 =	stileid.u32  }
0x30: {  	s1 =	rddreg [dreg:$0x1];
	p0 =	sne.s32 s2, $0x0  }
0x31: {  	s3 =	rddreg [dreg:$0x2];
	[bflag:$0x3] =	sbarrier.arrive $0xFFFF;
	s2 =	simm.s32 @!p0 $0x1C02  }
0x32: {  	[timem:s3], [sflag:s2] =	dma.local @!p0 [hbm:s0], s1  }
0x33: {  	s0 =	simm.s32 @!p0 $0x2  }
0x34: {  	_ =	swait.ge @!p0 [sflag:s0], s1  }
0x35: {  	s1 =	ssub.s32 @!p0 $0x0, s1;
	[sflag:s0] =	ssyncset.done @!p0 $0x0  }
0x36: {  	[sflag:s0] =	ssyncadd.s32 @!p0 s1  }
0x37: {  	[bflag:$0x3] =	sbarrier.arrive $0xFFFF  }
0x38: {  	_ =	shalt  }

// kernel: sparse-core-data-format-call.cloned.1.call-start
scs
called_computation_lowered:
.L_overlay_start_0:
0x0: {  	s2 =	sld [smem:$0x3FD9]  }
0x1: {  	s3 =	sld [smem:$0x3FFE];
	_ =	sdelay $0x1  }
0x2: {  	s1 =	srdreg.scid  }
0x3: {  	s0 =	sand.u32 $0x1, s1  }
0x4: {  	s18 =	sshll.u32 s0, $0xA;
	s2 =	sadd.s32 s3, s2  }
0x5: {  	s2 =	sadd.s32 s2, s18  }
0x6: {  	[smem:$0x3FC6] =	sst s2  }
0x7: {  	_ = 	snop  }
0x8: {  	s2 =	sld [smem:$0x3FC8];
	(tm) =	ssettm $0x1  }
0x9: {  	s19 =	sld [smem:$0x3FFB];
	_ =	sdelay $0x3  }
0xa: {  	_ =	strace s19  }
0xb: {  	s3 =	sld [smem:$0x3FFC];
	_ =	sdelay $0x3  }
0xc: {  	_ =	strace s3  }
0xd: {  	s3 =	sld [smem:$0x3FFD];
	_ =	sdelay $0x3  }
0xe: {  	_ =	strace s3  }
0xf: {  	_ =	strace $0x8FFFFFFF  }
0x10: {  	s20 =	sld [smem:$0x3FDB];
	_ =	sdelay $0x1  }
0x11: {  	s4 =	simm.s32 $_scs_section_size  }
0x12: {  	s5 =	simm.s32 $_size__tile_overlayer_lowered;
	s6 =	simm.s32 $_tile_overlayer_lowered  }
0x13: {  	s23 =	simm.s32 $0x1BFF;
	s22 =	sshll.u32 s6, $0x1;
	s3 =	sadd.s32 s4, s20  }
0x14: {  	s7 =	simm.s32 $0x0;
	s21 =	sshll.u32 s5, $0x1;
	s5 =	sadd.s32 s22, s3  }
0x15: {  	[timem:s7], [sflag:s23] =	dma.local [hbm:s5], s21  }
0x16: {  	_ =	swait.ge [sflag:s23], s21  }
0x17: {  	s4 =	ssub.s32 $0x0, s21;
	[sflag:s23] =	ssyncset.done $0x0  }
0x18: {  	[sflag:s23] =	ssyncadd.s32 s4;
	_ =	sdelay $0x1  }
0x19: {  	s24 =	simm.s32 $0x1B8B  }
0x1a: {  	_ =	swait.ge [sflag:s24], $0x1  }
0x1b: {  	[sflag:s24] =	ssyncset.done $0x0  }
0x1c: {  	s26 =	simm.s32 $0x1B8E;
	s25 =	sld [smem:$0x3FFE];
	[sflag:s24] =	ssyncadd.s32 $0xFFFFFFFF  }
0x1d: {  	s27 =	simm.s32 $execute0_lowered;
	[smem:$0x3FD2] =	sst s26  }
0x1e: {  	s5 =	sshll.u32 s27, $0x1;
	_ =	strace $0x80000046;
	[dreg:$0x1] =	wrdreg $0xFFFFFFFF  }
0x1f: {  	s28 =	simm.s32 $_size_execute0_lowered;
	s3 =	sadd.s32 s3, s5;
	[dreg:$0x0] =	wrdreg $0x0  }
0x20: {  	s5 =	sshll.u32 s28, $0x1;
	[dreg:$0x2] =	wrdreg s3  }
0x21: {  	[dreg:$0x3] =	wrdreg s5  }
0x22: {  	[dreg:$0x4] =	wrdreg $0xC0  }
0x23: {  	_ =	task [dreg:s7], $0x5FFFF  }
0x24: {  	[dreg:$0x1] =	wrdreg $0xFFFFFFFF  }
0x25: {  	[dreg:$0x0] =	wrdreg $0x60  }
0x26: {  	[dreg:$0x2] =	wrdreg s2  }
0x27: {  	[dreg:$0x3] =	wrdreg s25  }
0x28: {  	[dreg:$0x4] =	wrdreg $0x9  }
0x29: {  	_ =	task.clear_ibuf [dreg:s7], $0x5FFFF;
	_ =	strace $0x90000046  }
0x2a: {  	s29 =	simm.s32 $0x9;
	_ =	strace $0x80000048  }
0x2b: {  	_ =	swait.ge [sflag:s29], $0x1  }
0x2c: {  	[sflag:s29] =	ssyncadd.s32 $0xFFFFFFFF  }
0x2d: {  	_ =	strace $0x90000048  }
0x2e: {  	_ =	sfence  }
0x2f: {  	s30 =	sld [smem:$0x0];
	_ =	sdelay $0x2  }
0x30: {  	s31 =	sshll.u32 s1, $0xD;
	s1 =	sshrl.u32 s1, $0x2  }
0x31: {  	s3 =	sand.u32 $0x4000, s31;
	s1 =	sadd.s32 s1, s30  }
0x32: {  	s0 =	sor.u32 s3, s0;
	s1 =	sshll.u32 s1, $0x11  }
0x33: {  	s0 =	sor.u32 s1, s0  }
0x34: {  	s0 =	sadd.s32 $0x8F2B, s0  }
0x35: {  	[sflag:s0] =	ssyncadd.remote.s32 $0x1  }
0x36: {  	_ =	sfence.sel $0xFFFF  }
0x37: {  	[dreg:$0x0] =	wrdreg $0xFFFFFFFF;
	(pc) =	sbr.abs _section_cstart, $3  }
0x38: {  	[dreg:$0x1] =	wrdreg $0xFFFFFFFF  }
0x39: {  	_ =	task.clear_ibuf [dreg:s7], $0x2FFFF;
	_ =	strace $0x9FFFFFFF  }
0x3a: {  	(tm) =	ssettm $0x7FFFFFFF  }
0x3b: {  	_ =	shalt  }
tec
execute0_lowered:
.L_overlay_start_1:
0x0: {  	(tag) =	ssettag $0x1  }
0x1: {  	s1 =	rddreg [dreg:$0x0]  }
0x2: {  	s0 =	srdreg.scid;
	s2 =	rddreg [dreg:$0x1];
	s5 =	simm.s32 $0x1  }
0x3: {  	s8 =	simm.s32 $0x2;
	s14 =	simm.s32 $0x0;
	p0 =	por $0x0, $0x0  }
0x4: {  	s12 =	simm.s32 $0x0;
	s13 =	simm.s32 $0x0;
	s3 =	sshll.u32 s0, $0x7  }
0x5: {  	s9 =	simm.s32 $0x0;
	s10 =	stileid.u32;
	s3 =	sand.u32 $0x80, s3  }
.Ltmp0:
0x6: {  	s11 =	simm.s32 $0x0;
	s6 =	ssub.s32 $0x2000, s3;
	(pc) =	sbr.rel .LBB1_1-.Ltmp0, $4  }
0x7: {  	s0 =	rddreg [dreg:$0x2];
	_ =	strace $0x80000047;
	s7 =	sshrl.u32 s6, $0x7  }
0x8: {  	s4 =	sadd.s32 $0xE00, s2;
	s6 =	sshrl.u32 s6, $0x8;
	s7 =	sand.u32 $0x1, s7  }
0x9: {  	s2 =	stileid.u32;
	[sflag:s5] =	ssyncpa.u1 $0x0;
	s6 =	sadd.s32 s6, s7  }
0xa: {  	[sflag:s8] =	ssyncpa.u1 $0x0;
	s8 =	smov.u32 s3;
	s7 =	sadd.s32 $0x1, s6  }
.LBB1_4:
0xb: {  	v5 =	vld [tilespmem:s18+$0xFFFFFFD0];
	[tilespmem:s17+$0x2040 ss:$0x81] =	vst.msk $0xffff, v1  }
0xc: {  	v58 =	vld [tilespmem:s18+$0xFFFFFFE0];
	[tilespmem:s17+$0x2850 ss:$0x81] =	vst.msk $0xffff, v2  }
0xd: {  	s19 =	sshra.s32 s19, $0x2;
	v59 =	vld [tilespmem:s18+$0xFFFFFFF0];
	[tilespmem:s17+$0x3060 ss:$0x81] =	vst.msk $0xffff, v3  }
0xe: {  	v60 =	vld [tilespmem:s18+$0x0];
	[tilespmem:s17+$0x0 ss:$0x81] =	vst.msk $0xffff, v0;
	s16 =	sadd.s32 s19, s16  }
0xf: {  	v61 =	vld [tilespmem:s18+$0x10];
	[tilespmem:s16+$0x3870 ss:$0x81] =	vst.msk $0xffff, v4  }
0x10: {  	v62 =	vld [tilespmem:s18+$0x20];
	s14 =	sshll.u32 s14, $0x7;
	s28 =	sshll.u32 s12, $0x3;
	[tilespmem:s16+$0x810 ss:$0x81] =	vst.msk $0xffff, v5  }
0x11: {  	v63 =	vld [tilespmem:s18+$0xFFFFFFC0];
	s29 =	sand.u32 $0xFFC00, s14;
	s17 =	sand.u32 $0xFFC00, s28;
	[tilespmem:s16+$0x1020 ss:$0x81] =	vst.msk $0xffff, v58  }
0x12: {  	s14 =	sand.u32 $0x380, s14;
	s17 =	sadd.s32 s17, s29;
	[tilespmem:s16+$0x1830 ss:$0x81] =	vst.msk $0xffff, v59  }
0x13: {  	s13 =	sshll.u32 s13, $0x11;
	s30 =	sshrl.u32 s12, $0x3;
	s14 =	sor.u32 s14, s17;
	[tilespmem:s16+$0x2040 ss:$0x81] =	vst.msk $0xffff, v60  }
0x14: {  	s13 =	sadd.s32 s4, s13;
	s17 =	sand.u32 $0xF, s30;
	s14 =	sshrl.u32 s14, $0x3;
	[tilespmem:s16+$0x2850 ss:$0x81] =	vst.msk $0xffff, v61  }
0x15: {  	s13 =	sadd.s32 s17, s13;
	[tilespmem:s16+$0x3060 ss:$0x81] =	vst.msk $0xffff, v62;
	s14 =	sand.u32 $0x1FFF0, s14  }
0x16: {  	s31 =	sand.u32 $0x7, s12;
	[tilespmem:s16+$0x0 ss:$0x81] =	vst.msk $0xffff, v63;
	s13 =	sadd.s32 s14, s13  }
0x17: {  	[hbm4b:s13+s31] =	stream.linear.scatter [tilespmem:s15], [sflag:$0x2], $0x4000, $0x20;
	[tilespmem:$0x10100] =	vst v63  }
.LBB1_5:
0x18: {  	s15 =	sadd.s32 $0x100, s8  }
0x19: {  	s12 =	sadd.s32 $0x80, s9;
	s16 =	smov.u32 s9;
	p2 =	sgt.s32 s15, $0x1FFF  }
0x1a: {  	s16 =	smov.u32 @p2 s12  }
0x1b: {  	s18 =	smov.u32 s10;
	s12 =	sadd.s32 $0x10, s10;
	p3 =	sgt.s32 s16, $0x7F  }
0x1c: {  	s18 =	smov.u32 @p3 s12  }
0x1d: {  	s15 =	smov.u32 @p2 s3;
	p2 =	sgt.s32 s18, $0xF  }
0x1e: {  	p1 =	slt.u32 s11, $0x2;
	s18 =	smov.u32 @p2 s2;
	p2 =	sne.s32 s11, s7  }
.Ltmp1:
0x1f: {  	s17 =	simm.s32 @!p1 $0x2;
	(pc) =	sbr.rel @!p2 .LBB1_6-.Ltmp1, $4  }
0x20: {  	s14 =	smov.u32 s8;
	s13 =	smov.u32 s10;
	_ =	swait.ge @!p1 [sflag:s17], $0x4000  }
0x21: {  	p0 =	por !p0, !p0;
	[sflag:s17] =	ssyncset.done @!p1 $0x0;
	s8 =	smov.u32 s15  }
0x22: {  	s16 =	simm.s32 @p3 $0x0;
	s12 =	smov.u32 s9;
	[sflag:s17] =	ssyncadd.s32 @!p1 $0xFFFFC000  }
0x23: {  	s9 =	smov.u32 s16;
	s11 =	sadd.s32 $0x1, s11;
	s10 =	smov.u32 s18  }
.LBB1_1:
0x24: {  	p1 =	sge.u32 s11, s6;
	s31 =	sadd.s32 $0xFFFFFFFF, s11  }
0x25: {  	s15 =	sxor.u32 @!p1 $0xFFFFFFFF, s11;
	s16 =	sand.u32 @!p1 $0x78, s8;
	s17 =	sshll.u32 @!p1 s9, $0xD  }
0x26: {  	s18 =	sshll.u32 @!p1 s9, $0x7;
	s19 =	sshll.u32 @!p1 s8, $0x3;
	s15 =	sshll.u32 @!p1 s15, $0xE  }
0x27: {  	s17 =	sand.u32 @!p1 $0xF0000, s17;
	s18 =	sand.u32 @!p1 $0x380, s18;
	s15 =	sand.u32 @!p1 $0x4000, s15  }
0x28: {  	s17 =	sadd.s32 @!p1 s17, s19;
	s19 =	sand.u32 @!p1 $0x1C00, s19;
	s16 =	sor.u32 @!p1 s18, s16  }
0x29: {  	s18 =	sshll.u32 @!p1 s10, $0x11;
	s16 =	sor.u32 @!p1 s19, s16;
	s17 =	sshrl.u32 @!p1 s17, $0x3  }
0x2a: {  	s18 =	sadd.s32 @!p1 s1, s18;
	s19 =	sand.u32 @!p1 $0x7, s8;
	s17 =	sand.u32 @!p1 $0x1FC00, s17  }
0x2b: {  	s16 =	sshrl.u32 @!p1 s16, $0x3;
	s17 =	sadd.s32 @!p1 s17, s18;
	s18 =	sshll.u32 @!p1 s19, $0x12  }
0x2c: {  	s16 =	sadd.s32 @!p1 s16, s17;
	s17 =	sor.u32 @!p1 $0x400, s18;
	s18 =	simm.s32 @!p1 $0x10000  }
0x2d: {  	[tilespmem:s15], [sflag:$0x1] =	stream.strided.gather @!p1 [hbm4b:s16+s17], $0x4000, s18, s17, $0x38;
	[tilespmem:$0x10100] =	vst v63  }
0x2e: {  	p1 =	sge.u32 s31, s6  }
.Ltmp2:
0x2f: {  	_ = 	snop;
	(pc) =	sbr.rel @p1 .LBB1_5-.Ltmp2, $1  }
0x30: {  	_ =	sdelay $0x3  }
0x31: {  	s15 =	simm.s32 $0x1  }
0x32: {  	_ =	swait.ge [sflag:s5], $0x4000;
	s15 =	simm.s32 @!p0 $0x0  }
0x33: {  	[sflag:s5] =	ssyncset.done $0x0;
	s16 =	sshll.u32 s15, $0xE  }
0x34: {  	[sflag:s5] =	ssyncadd.s32 $0xFFFFC000;
	s18 =	sor.u32 $0x40, s16  }
0x35: {  	s15 =	smul.u32 $0x10200, s15;
	v0 =	vld [tilespmem:s18+$0x30]  }
0x36: {  	v3 =	vld [tilespmem:s18+$0xFFFFFFD0]  }
0x37: {  	s15 =	sshrl.u32 s15, $0x2;
	v4 =	vld [tilespmem:s18+$0xFFFFFFE0]  }
0x38: {  	v5 =	vld [tilespmem:s18+$0xFFFFFFF0];
	s16 =	sor.u32 $0x8000, s15  }
0x39: {  	s31 =	sand.u32 $0x1, s11;
	v1 =	vld [tilespmem:s18+$0x0];
	s17 =	sadd.s32 $0x0, s16  }
0x3a: {  	v2 =	vld [tilespmem:s18+$0x10];
	s15 =	smul.u32 $0x10200, s31;
	[tilespmem:s17+$0x3870 ss:$0x81] =	vst.msk $0xffff, v0  }
0x3b: {  	[tilespmem:s17+$0x810 ss:$0x81] =	vst.msk $0xffff, v3;
	v3 =	vld [tilespmem:s18+$0x20]  }
0x3c: {  	s15 =	sshrl.u32 s15, $0x2;
	v0 =	vld [tilespmem:s18+$0xFFFFFFC0];
	[tilespmem:s17+$0x1020 ss:$0x81] =	vst.msk $0xffff, v4;
	s18 =	sadd.s32 $0x80, s18  }
0x3d: {  	s19 =	simm.s32 $0x4;
	s20 =	simm.s32 $0x8;
	s15 =	sor.u32 $0x8000, s15;
	[tilespmem:s17+$0x1830 ss:$0x81] =	vst.msk $0xffff, v5;
	v4 =	vld [tilespmem:s18+$0x30]  }
.LBB1_3:
0x3e: {  	p1 =	sne.s32 s20, $0x1FC;
	v5 =	vld [tilespmem:s18+$0xFFFFFFD0];
	[tilespmem:s17+$0x2040 ss:$0x81] =	vst.msk $0xffff, v1  }
0x3f: {  	v6 =	vld [tilespmem:s18+$0xFFFFFFE0];
	[tilespmem:s17+$0x2850 ss:$0x81] =	vst.msk $0xffff, v2  }
0x40: {  	s21 =	sshra.s32 s19, $0x2;
	s19 =	smov.u32 s20;
	v7 =	vld [tilespmem:s18+$0xFFFFFFF0];
	[tilespmem:s17+$0x3060 ss:$0x81] =	vst.msk $0xffff, v3  }
.Ltmp3:
0x41: {  	v1 =	vld [tilespmem:s18+$0x0];
	[tilespmem:s17+$0x0 ss:$0x81] =	vst.msk $0xffff, v0;
	s17 =	sadd.s32 s21, s16;
	(pc) =	sbr.rel @p1 .LBB1_3-.Ltmp3, $4  }
0x42: {  	v2 =	vld [tilespmem:s18+$0x10];
	[tilespmem:s17+$0x3870 ss:$0x81] =	vst.msk $0xffff, v4  }
0x43: {  	[tilespmem:s17+$0x810 ss:$0x81] =	vst.msk $0xffff, v5;
	v3 =	vld [tilespmem:s18+$0x20]  }
0x44: {  	v0 =	vld [tilespmem:s18+$0xFFFFFFC0];
	[tilespmem:s17+$0x1020 ss:$0x81] =	vst.msk $0xffff, v6;
	s18 =	sadd.s32 $0x80, s18  }
0x45: {  	s20 =	sadd.s32 $0x4, s20;
	v4 =	vld [tilespmem:s18+$0x30];
	[tilespmem:s17+$0x1830 ss:$0x81] =	vst.msk $0xffff, v7  }
.Ltmp4:
0x46: {  	_ = 	snop;
	(pc) =	sbr.rel .LBB1_4-.Ltmp4, $1  }
0x47: {  	_ =	sdelay $0x3  }
.LBB1_6:
0x48: {  	_ =	sfence.sel $0x180000  }
0x49: {  	s1 =	simm.s32 $0x1;
	[bflag:$0x0] =	sbarrier.arrive $0xFFFF  }
0x4a: {  	s31 =	simm.s32 $0x2;
	[sflag:s1] =	ssyncpa.u1 $0x1  }
0x4b: {  	[sflag:s31] =	ssyncpa.u1 $0x1  }
0x4c: {  	p0 =	sne.s32 s2, $0x0;
	_ =	strace $0x90000047  }
0x4d: {  	s0 =	sadd.s32 @!p0 $0x100000, s0;
	[bflag:$0x2] =	sbarrier.arrive $0xFFFF  }
0x4e: {  	[sflag:s0] =	ssyncadd.tile.s32 @!p0 $0x1;
	_ =	shalt  }
.Lfunc_end1:
_tile_overlayer_lowered:
.L_overlay_start_2:
0x4f: {  	(tag) =	ssettag $0x2  }
0x50: {  	s0 =	rddreg [dreg:$0x0];
	s2 =	stileid.u32  }
0x51: {  	s1 =	rddreg [dreg:$0x1];
	p0 =	sne.s32 s2, $0x0  }
0x52: {  	s3 =	rddreg [dreg:$0x2];
	[bflag:$0x3] =	sbarrier.arrive $0xFFFF;
	s2 =	simm.s32 @!p0 $0x1C01  }
0x53: {  	[timem:s3], [sflag:s2] =	dma.local @!p0 [hbm:s0], s1  }
0x54: {  	s0 =	simm.s32 @!p0 $0x1  }
0x55: {  	_ =	swait.ge @!p0 [sflag:s0], s1  }
0x56: {  	s1 =	ssub.s32 @!p0 $0x0, s1;
	[sflag:s0] =	ssyncset.done @!p0 $0x0  }
0x57: {  	[sflag:s0] =	ssyncadd.s32 @!p0 s1  }
0x58: {  	[bflag:$0x3] =	sbarrier.arrive $0xFFFF  }
0x59: {  	_ =	shalt  }

</sc_bundles>
